<compile_context>
chip_gen: v7x
topology: tpu7x:2x2x1
jax: 0.10.2.dev20260603
libtpu: 0.0.44.dev20260713+nightly
codegen_flags: <defaults>
</compile_context>

<pallas_src>
import jax
import jax.numpy as jnp
from jax import lax
from jax.experimental import pallas as pl
from jax.experimental.pallas import tpu as pltpu
from jax.experimental.pallas import tpu_sc as plsc

_EXTRA = (3216, 3226, 3387, 6617, 6624, 6787,
          2746, 2319, 2445, 2556, 2673,
          6191, 5782, 5905, 6016, 6133)

_B, _V, _J, _E, _C = 4096, 6890, 52, 16, 3
_NC, _NS = 2, 16
_NW = _NC * _NS
_CB = _B // _NW
_L = 16


def _body(vt, jt, out, gbuf, obuf, sem):
  wid = lax.axis_index("s") * _NC + lax.axis_index("c")
  cols = pl.ds(wid * _CB, _CB)

  copies = [pltpu.make_async_copy(
      jt.at[:, :, cols], obuf.at[:, pl.ds(0, _J), :], sem)]
  for j, vidx in enumerate(_EXTRA):
    g0 = (vidx // 8) * 8
    copies.append(pltpu.make_async_copy(
        vt.at[:, pl.ds(g0, 8), cols], gbuf.at[j], sem))
  for cp in copies:
    cp.start()
  for cp in copies:
    cp.wait()

  def extract(k, carry):
    off = pl.multiple_of(k * _L, _L)
    for j, vidx in enumerate(_EXTRA):
      for c in range(_C):
        obuf[c, _J + j, pl.ds(off, _L)] = gbuf[j, c, vidx % 8, pl.ds(off, _L)]
    return carry

  lax.fori_loop(0, _CB // _L, extract, 0)

  pltpu.sync_copy(obuf, out.at[:, :, cols])


@jax.jit
def kernel(vertices, joints):
  vt = jnp.transpose(vertices, (2, 1, 0))
  jt = jnp.transpose(joints, (2, 1, 0))
  mesh = plsc.VectorSubcoreMesh(core_axis_name="c", subcore_axis_name="s")
  out_t = pl.kernel(
      _body,
      out_type=jax.ShapeDtypeStruct((_C, _J + _E, _B), jnp.float32),
      mesh=mesh,
      scratch_types=[
          pltpu.VMEM((_E, _C, 8, _CB), jnp.float32),
          pltpu.VMEM((_C, _J + _E, _CB), jnp.float32),
          pltpu.SemaphoreType.DMA,
      ],
  )(vt, jt)
  return jnp.transpose(out_t, (2, 1, 0))

# --- scband reference (transcript-rebuilt; emitter-appended) ---
"""Pipeline reference for scband-vertex-joint-selector-43774306680880 (READ-ONLY COPY).

The authoritative reference and input builder live on the scoring server;
editing this copy changes nothing except your own understanding.
"""

import jax, jax.numpy as jnp
import numpy as np

# extra_joints_idxs built exactly as in VertexJointSelector.__init__ with SMPLH_VERTEX_INDEX:
# feet: LBigToe, LSmallToe, LHeel, RBigToe, RSmallToe, RHeel
# then hand tips: l{thumb,index,middle,ring,pinky}, r{thumb,index,middle,ring,pinky}
EXTRA_JOINTS_IDXS = jnp.array(
    [3216, 3226, 3387, 6617, 6624, 6787,
     2746, 2319, 2445, 2556, 2673,
     6191, 5782, 5905, 6016, 6133], dtype=jnp.int32)


def setup_inputs(seed: int = 0) -> dict:
    key = jax.random.key(seed)
    k1, k2 = jax.random.split(key)
    vertices = jax.random.normal(k1, (4096, 6890, 3), dtype=jnp.float32)
    joints = jax.random.normal(k2, (4096, 52, 3), dtype=jnp.float32)
    return {"vertices": vertices, "joints": joints}


def reference(vertices, joints):
    # torch.index_select(vertices, 1, extra_joints_idxs)
    extra_joints = jnp.take(vertices, EXTRA_JOINTS_IDXS, axis=1)
    # torch.cat([joints, extra_joints], dim=1)
    out = jnp.concatenate([joints, extra_joints], axis=1)
    return out

if __name__ == "__main__":
    import jax
    _d = setup_inputs()
    print(jax.jit(kernel)(*tuple(_d.values())))

</pallas_src>

<mosaic_0001>
#map = affine_map<(d0, d1) -> (0, 0, 0)>
module attributes {stable_mosaic.version = 14 : i64} {
  func.func @_body(%arg0: i32, %arg1: i32, %arg2: memref<3x6890x4096xf32, #tpu.memory_space<hbm>>, %arg3: memref<3x52x4096xf32, #tpu.memory_space<hbm>>, %arg4: memref<3x68x4096xf32, #tpu.memory_space<hbm>>, %arg5: memref<16x3x8x128xf32, #tpu.memory_space<vmem>>, %arg6: memref<3x68x128xf32, #tpu.memory_space<vmem>>, %arg7: memref<!tpu.dma_semaphore, #tpu.memory_space<semaphore_mem>>) attributes {dimension_semantics = [#tpu.dimension_semantics<core_parallel>, #tpu.dimension_semantics<subcore_parallel>], iteration_bounds = array<i64: 2, 16>, scalar_prefetch = 0 : i64, scratch_operands = 3 : i64, tpu.core_type = #tpu.core_type<sc_vector_subcore>, window_params = [{transform_indices = #map}, {transform_indices = #map}, {transform_indices = #map}]} {
    %mul3A = arith.constant 2 : i32
    %mul3A_0 = arith.muli %arg1, %mul3A : i32
    %add3A = arith.addi %mul3A_0, %arg0 : i32
    %mul3A_1 = arith.constant 128 : i32
    %mul3A_2 = arith.muli %add3A, %mul3A_1 : i32
    %dma_start3A = arith.constant 0 : i32
    %dma_start3A_3 = arith.constant 0 : i32
    %dma_start3A_4 = arith.constant 0 : i32
    %dma_start3A_5 = tpu.memref_slice %arg6[%dma_start3A, %dma_start3A_3, %dma_start3A_4] : memref<3x68x128xf32, #tpu.memory_space<vmem>> -> memref<3x52x128xf32, #tpu.memory_space<vmem>>
    %dma_start3A_6 = arith.constant 0 : i32
    %dma_start3A_7 = arith.constant 0 : i32
    %dma_start3A_8 = tpu.memref_slice %arg3[%dma_start3A_6, %dma_start3A_7, %mul3A_2] : memref<3x52x4096xf32, #tpu.memory_space<hbm>> -> memref<3x52x128xf32, #tpu.memory_space<hbm>>
    %dma_start3A_9 = arith.constant 0 : i32
    %dma_start3A_10 = arith.constant 0 : i32
    %dma_start3A_11 = arith.constant 0 : i32
    %dma_start3A_12 = tpu.memref_slice %arg6[%dma_start3A_9, %dma_start3A_10, %dma_start3A_11] : memref<3x68x128xf32, #tpu.memory_space<vmem>> -> memref<3x52x128xf32, #tpu.memory_space<vmem>>
    %dma_start3A_13 = arith.constant 0 : i32
    %dma_start3A_14 = arith.constant 0 : i32
    %dma_start3A_15 = tpu.memref_slice %arg3[%dma_start3A_13, %dma_start3A_14, %mul3A_2] : memref<3x52x4096xf32, #tpu.memory_space<hbm>> -> memref<3x52x128xf32, #tpu.memory_space<hbm>>
    tpu.enqueue_dma source(%dma_start3A_15 : memref<3x52x128xf32, #tpu.memory_space<hbm>>) target(%dma_start3A_12 : memref<3x52x128xf32, #tpu.memory_space<vmem>>) target_semaphore(%arg7 : memref<!tpu.dma_semaphore, #tpu.memory_space<semaphore_mem>>)
    %dma_start3A_16 = arith.constant 0 : i32
    %dma_start3A_17 = arith.constant 0 : i32
    %dma_start3A_18 = arith.constant 0 : i32
    %dma_start3A_19 = arith.constant 0 : i32
    %dma_start3A_20 = tpu.memref_slice %arg5[%dma_start3A_16, %dma_start3A_17, %dma_start3A_18, %dma_start3A_19] : memref<16x3x8x128xf32, #tpu.memory_space<vmem>> -> memref<1x3x8x128xf32, #tpu.memory_space<vmem>>
    %dma_start3A_21 = tpu.memref_squeeze %dma_start3A_20 : memref<1x3x8x128xf32, #tpu.memory_space<vmem>> -> memref<3x8x128xf32, #tpu.memory_space<vmem>>
    %dma_start3A_22 = arith.constant 0 : i32
    %dma_start3A_23 = arith.constant 3216 : i32
    %dma_start3A_24 = tpu.memref_slice %arg2[%dma_start3A_22, %dma_start3A_23, %mul3A_2] : memref<3x6890x4096xf32, #tpu.memory_space<hbm>> -> memref<3x8x128xf32, #tpu.memory_space<hbm>>
    %dma_start3A_25 = arith.constant 0 : i32
    %dma_start3A_26 = arith.constant 0 : i32
    %dma_start3A_27 = arith.constant 0 : i32
    %dma_start3A_28 = tpu.memref_slice %arg5[%dma_start3A_16, %dma_start3A_25, %dma_start3A_26, %dma_start3A_27] : memref<16x3x8x128xf32, #tpu.memory_space<vmem>> -> memref<1x3x8x128xf32, #tpu.memory_space<vmem>>
    %dma_start3A_29 = tpu.memref_squeeze %dma_start3A_28 : memref<1x3x8x128xf32, #tpu.memory_space<vmem>> -> memref<3x8x128xf32, #tpu.memory_space<vmem>>
    %dma_start3A_30 = arith.constant 0 : i32
    %dma_start3A_31 = arith.constant 3216 : i32
    %dma_start3A_32 = tpu.memref_slice %arg2[%dma_start3A_30, %dma_start3A_31, %mul3A_2] : memref<3x6890x4096xf32, #tpu.memory_space<hbm>> -> memref<3x8x128xf32, #tpu.memory_space<hbm>>
    tpu.enqueue_dma source(%dma_start3A_32 : memref<3x8x128xf32, #tpu.memory_space<hbm>>) target(%dma_start3A_29 : memref<3x8x128xf32, #tpu.memory_space<vmem>>) target_semaphore(%arg7 : memref<!tpu.dma_semaphore, #tpu.memory_space<semaphore_mem>>)
    %dma_start3A_33 = arith.constant 1 : i32
    %dma_start3A_34 = arith.constant 0 : i32
    %dma_start3A_35 = arith.constant 0 : i32
    %dma_start3A_36 = arith.constant 0 : i32
    %dma_start3A_37 = tpu.memref_slice %arg5[%dma_start3A_33, %dma_start3A_34, %dma_start3A_35, %dma_start3A_36] : memref<16x3x8x128xf32, #tpu.memory_space<vmem>> -> memref<1x3x8x128xf32, #tpu.memory_space<vmem>>
    %dma_start3A_38 = tpu.memref_squeeze %dma_start3A_37 : memref<1x3x8x128xf32, #tpu.memory_space<vmem>> -> memref<3x8x128xf32, #tpu.memory_space<vmem>>
    %dma_start3A_39 = arith.constant 0 : i32
    %dma_start3A_40 = arith.constant 3224 : i32
    %dma_start3A_41 = tpu.memref_slice %arg2[%dma_start3A_39, %dma_start3A_40, %mul3A_2] : memref<3x6890x4096xf32, #tpu.memory_space<hbm>> -> memref<3x8x128xf32, #tpu.memory_space<hbm>>
    %dma_start3A_42 = arith.constant 0 : i32
    %dma_start3A_43 = arith.constant 0 : i32
    %dma_start3A_44 = arith.constant 0 : i32
    %dma_start3A_45 = tpu.memref_slice %arg5[%dma_start3A_33, %dma_start3A_42, %dma_start3A_43, %dma_start3A_44] : memref<16x3x8x128xf32, #tpu.memory_space<vmem>> -> memref<1x3x8x128xf32, #tpu.memory_space<vmem>>
    %dma_start3A_46 = tpu.memref_squeeze %dma_start3A_45 : memref<1x3x8x128xf32, #tpu.memory_space<vmem>> -> memref<3x8x128xf32, #tpu.memory_space<vmem>>
    %dma_start3A_47 = arith.constant 0 : i32
    %dma_start3A_48 = arith.constant 3224 : i32
    %dma_start3A_49 = tpu.memref_slice %arg2[%dma_start3A_47, %dma_start3A_48, %mul3A_2] : memref<3x6890x4096xf32, #tpu.memory_space<hbm>> -> memref<3x8x128xf32, #tpu.memory_space<hbm>>
    tpu.enqueue_dma source(%dma_start3A_49 : memref<3x8x128xf32, #tpu.memory_space<hbm>>) target(%dma_start3A_46 : memref<3x8x128xf32, #tpu.memory_space<vmem>>) target_semaphore(%arg7 : memref<!tpu.dma_semaphore, #tpu.memory_space<semaphore_mem>>)
    %dma_start3A_50 = arith.constant 2 : i32
    %dma_start3A_51 = arith.constant 0 : i32
    %dma_start3A_52 = arith.constant 0 : i32
    %dma_start3A_53 = arith.constant 0 : i32
    %dma_start3A_54 = tpu.memref_slice %arg5[%dma_start3A_50, %dma_start3A_51, %dma_start3A_52, %dma_start3A_53] : memref<16x3x8x128xf32, #tpu.memory_space<vmem>> -> memref<1x3x8x128xf32, #tpu.memory_space<vmem>>
    %dma_start3A_55 = tpu.memref_squeeze %dma_start3A_54 : memref<1x3x8x128xf32, #tpu.memory_space<vmem>> -> memref<3x8x128xf32, #tpu.memory_space<vmem>>
    %dma_start3A_56 = arith.constant 0 : i32
    %dma_start3A_57 = arith.constant 3384 : i32
    %dma_start3A_58 = tpu.memref_slice %arg2[%dma_start3A_56, %dma_start3A_57, %mul3A_2] : memref<3x6890x4096xf32, #tpu.memory_space<hbm>> -> memref<3x8x128xf32, #tpu.memory_space<hbm>>
    %dma_start3A_59 = arith.constant 0 : i32
    %dma_start3A_60 = arith.constant 0 : i32
    %dma_start3A_61 = arith.constant 0 : i32
    %dma_start3A_62 = tpu.memref_slice %arg5[%dma_start3A_50, %dma_start3A_59, %dma_start3A_60, %dma_start3A_61] : memref<16x3x8x128xf32, #tpu.memory_space<vmem>> -> memref<1x3x8x128xf32, #tpu.memory_space<vmem>>
    %dma_start3A_63 = tpu.memref_squeeze %dma_start3A_62 : memref<1x3x8x128xf32, #tpu.memory_space<vmem>> -> memref<3x8x128xf32, #tpu.memory_space<vmem>>
    %dma_start3A_64 = arith.constant 0 : i32
    %dma_start3A_65 = arith.constant 3384 : i32
    %dma_start3A_66 = tpu.memref_slice %arg2[%dma_start3A_64, %dma_start3A_65, %mul3A_2] : memref<3x6890x4096xf32, #tpu.memory_space<hbm>> -> memref<3x8x128xf32, #tpu.memory_space<hbm>>
    tpu.enqueue_dma source(%dma_start3A_66 : memref<3x8x128xf32, #tpu.memory_space<hbm>>) target(%dma_start3A_63 : memref<3x8x128xf32, #tpu.memory_space<vmem>>) target_semaphore(%arg7 : memref<!tpu.dma_semaphore, #tpu.memory_space<semaphore_mem>>)
    %dma_start3A_67 = arith.constant 3 : i32
    %dma_start3A_68 = arith.constant 0 : i32
    %dma_start3A_69 = arith.constant 0 : i32
    %dma_start3A_70 = arith.constant 0 : i32
    %dma_start3A_71 = tpu.memref_slice %arg5[%dma_start3A_67, %dma_start3A_68, %dma_start3A_69, %dma_start3A_70] : memref<16x3x8x128xf32, #tpu.memory_space<vmem>> -> memref<1x3x8x128xf32, #tpu.memory_space<vmem>>
    %dma_start3A_72 = tpu.memref_squeeze %dma_start3A_71 : memref<1x3x8x128xf32, #tpu.memory_space<vmem>> -> memref<3x8x128xf32, #tpu.memory_space<vmem>>
    %dma_start3A_73 = arith.constant 0 : i32
    %dma_start3A_74 = arith.constant 6616 : i32
    %dma_start3A_75 = tpu.memref_slice %arg2[%dma_start3A_73, %dma_start3A_74, %mul3A_2] : memref<3x6890x4096xf32, #tpu.memory_space<hbm>> -> memref<3x8x128xf32, #tpu.memory_space<hbm>>
    %dma_start3A_76 = arith.constant 0 : i32
    %dma_start3A_77 = arith.constant 0 : i32
    %dma_start3A_78 = arith.constant 0 : i32
    %dma_start3A_79 = tpu.memref_slice %arg5[%dma_start3A_67, %dma_start3A_76, %dma_start3A_77, %dma_start3A_78] : memref<16x3x8x128xf32, #tpu.memory_space<vmem>> -> memref<1x3x8x128xf32, #tpu.memory_space<vmem>>
    %dma_start3A_80 = tpu.memref_squeeze %dma_start3A_79 : memref<1x3x8x128xf32, #tpu.memory_space<vmem>> -> memref<3x8x128xf32, #tpu.memory_space<vmem>>
    %dma_start3A_81 = arith.constant 0 : i32
    %dma_start3A_82 = arith.constant 6616 : i32
    %dma_start3A_83 = tpu.memref_slice %arg2[%dma_start3A_81, %dma_start3A_82, %mul3A_2] : memref<3x6890x4096xf32, #tpu.memory_space<hbm>> -> memref<3x8x128xf32, #tpu.memory_space<hbm>>
    tpu.enqueue_dma source(%dma_start3A_83 : memref<3x8x128xf32, #tpu.memory_space<hbm>>) target(%dma_start3A_80 : memref<3x8x128xf32, #tpu.memory_space<vmem>>) target_semaphore(%arg7 : memref<!tpu.dma_semaphore, #tpu.memory_space<semaphore_mem>>)
    %dma_start3A_84 = arith.constant 4 : i32
    %dma_start3A_85 = arith.constant 0 : i32
    %dma_start3A_86 = arith.constant 0 : i32
    %dma_start3A_87 = arith.constant 0 : i32
    %dma_start3A_88 = tpu.memref_slice %arg5[%dma_start3A_84, %dma_start3A_85, %dma_start3A_86, %dma_start3A_87] : memref<16x3x8x128xf32, #tpu.memory_space<vmem>> -> memref<1x3x8x128xf32, #tpu.memory_space<vmem>>
    %dma_start3A_89 = tpu.memref_squeeze %dma_start3A_88 : memref<1x3x8x128xf32, #tpu.memory_space<vmem>> -> memref<3x8x128xf32, #tpu.memory_space<vmem>>
    %dma_start3A_90 = arith.constant 0 : i32
    %dma_start3A_91 = arith.constant 6624 : i32
    %dma_start3A_92 = tpu.memref_slice %arg2[%dma_start3A_90, %dma_start3A_91, %mul3A_2] : memref<3x6890x4096xf32, #tpu.memory_space<hbm>> -> memref<3x8x128xf32, #tpu.memory_space<hbm>>
    %dma_start3A_93 = arith.constant 0 : i32
    %dma_start3A_94 = arith.constant 0 : i32
    %dma_start3A_95 = arith.constant 0 : i32
    %dma_start3A_96 = tpu.memref_slice %arg5[%dma_start3A_84, %dma_start3A_93, %dma_start3A_94, %dma_start3A_95] : memref<16x3x8x128xf32, #tpu.memory_space<vmem>> -> memref<1x3x8x128xf32, #tpu.memory_space<vmem>>
    %dma_start3A_97 = tpu.memref_squeeze %dma_start3A_96 : memref<1x3x8x128xf32, #tpu.memory_space<vmem>> -> memref<3x8x128xf32, #tpu.memory_space<vmem>>
    %dma_start3A_98 = arith.constant 0 : i32
    %dma_start3A_99 = arith.constant 6624 : i32
    %dma_start3A_100 = tpu.memref_slice %arg2[%dma_start3A_98, %dma_start3A_99, %mul3A_2] : memref<3x6890x4096xf32, #tpu.memory_space<hbm>> -> memref<3x8x128xf32, #tpu.memory_space<hbm>>
    tpu.enqueue_dma source(%dma_start3A_100 : memref<3x8x128xf32, #tpu.memory_space<hbm>>) target(%dma_start3A_97 : memref<3x8x128xf32, #tpu.memory_space<vmem>>) target_semaphore(%arg7 : memref<!tpu.dma_semaphore, #tpu.memory_space<semaphore_mem>>)
    %dma_start3A_101 = arith.constant 5 : i32
    %dma_start3A_102 = arith.constant 0 : i32
    %dma_start3A_103 = arith.constant 0 : i32
    %dma_start3A_104 = arith.constant 0 : i32
    %dma_start3A_105 = tpu.memref_slice %arg5[%dma_start3A_101, %dma_start3A_102, %dma_start3A_103, %dma_start3A_104] : memref<16x3x8x128xf32, #tpu.memory_space<vmem>> -> memref<1x3x8x128xf32, #tpu.memory_space<vmem>>
    %dma_start3A_106 = tpu.memref_squeeze %dma_start3A_105 : memref<1x3x8x128xf32, #tpu.memory_space<vmem>> -> memref<3x8x128xf32, #tpu.memory_space<vmem>>
    %dma_start3A_107 = arith.constant 0 : i32
    %dma_start3A_108 = arith.constant 6784 : i32
    %dma_start3A_109 = tpu.memref_slice %arg2[%dma_start3A_107, %dma_start3A_108, %mul3A_2] : memref<3x6890x4096xf32, #tpu.memory_space<hbm>> -> memref<3x8x128xf32, #tpu.memory_space<hbm>>
    %dma_start3A_110 = arith.constant 0 : i32
    %dma_start3A_111 = arith.constant 0 : i32
    %dma_start3A_112 = arith.constant 0 : i32
    %dma_start3A_113 = tpu.memref_slice %arg5[%dma_start3A_101, %dma_start3A_110, %dma_start3A_111, %dma_start3A_112] : memref<16x3x8x128xf32, #tpu.memory_space<vmem>> -> memref<1x3x8x128xf32, #tpu.memory_space<vmem>>
    %dma_start3A_114 = tpu.memref_squeeze %dma_start3A_113 : memref<1x3x8x128xf32, #tpu.memory_space<vmem>> -> memref<3x8x128xf32, #tpu.memory_space<vmem>>
    %dma_start3A_115 = arith.constant 0 : i32
    %dma_start3A_116 = arith.constant 6784 : i32
    %dma_start3A_117 = tpu.memref_slice %arg2[%dma_start3A_115, %dma_start3A_116, %mul3A_2] : memref<3x6890x4096xf32, #tpu.memory_space<hbm>> -> memref<3x8x128xf32, #tpu.memory_space<hbm>>
    tpu.enqueue_dma source(%dma_start3A_117 : memref<3x8x128xf32, #tpu.memory_space<hbm>>) target(%dma_start3A_114 : memref<3x8x128xf32, #tpu.memory_space<vmem>>) target_semaphore(%arg7 : memref<!tpu.dma_semaphore, #tpu.memory_space<semaphore_mem>>)
    %dma_start3A_118 = arith.constant 6 : i32
    %dma_start3A_119 = arith.constant 0 : i32
    %dma_start3A_120 = arith.constant 0 : i32
    %dma_start3A_121 = arith.constant 0 : i32
    %dma_start3A_122 = tpu.memref_slice %arg5[%dma_start3A_118, %dma_start3A_119, %dma_start3A_120, %dma_start3A_121] : memref<16x3x8x128xf32, #tpu.memory_space<vmem>> -> memref<1x3x8x128xf32, #tpu.memory_space<vmem>>
    %dma_start3A_123 = tpu.memref_squeeze %dma_start3A_122 : memref<1x3x8x128xf32, #tpu.memory_space<vmem>> -> memref<3x8x128xf32, #tpu.memory_space<vmem>>
    %dma_start3A_124 = arith.constant 0 : i32
    %dma_start3A_125 = arith.constant 2744 : i32
    %dma_start3A_126 = tpu.memref_slice %arg2[%dma_start3A_124, %dma_start3A_125, %mul3A_2] : memref<3x6890x4096xf32, #tpu.memory_space<hbm>> -> memref<3x8x128xf32, #tpu.memory_space<hbm>>
    %dma_start3A_127 = arith.constant 0 : i32
    %dma_start3A_128 = arith.constant 0 : i32
    %dma_start3A_129 = arith.constant 0 : i32
    %dma_start3A_130 = tpu.memref_slice %arg5[%dma_start3A_118, %dma_start3A_127, %dma_start3A_128, %dma_start3A_129] : memref<16x3x8x128xf32, #tpu.memory_space<vmem>> -> memref<1x3x8x128xf32, #tpu.memory_space<vmem>>
    %dma_start3A_131 = tpu.memref_squeeze %dma_start3A_130 : memref<1x3x8x128xf32, #tpu.memory_space<vmem>> -> memref<3x8x128xf32, #tpu.memory_space<vmem>>
    %dma_start3A_132 = arith.constant 0 : i32
    %dma_start3A_133 = arith.constant 2744 : i32
    %dma_start3A_134 = tpu.memref_slice %arg2[%dma_start3A_132, %dma_start3A_133, %mul3A_2] : memref<3x6890x4096xf32, #tpu.memory_space<hbm>> -> memref<3x8x128xf32, #tpu.memory_space<hbm>>
    tpu.enqueue_dma source(%dma_start3A_134 : memref<3x8x128xf32, #tpu.memory_space<hbm>>) target(%dma_start3A_131 : memref<3x8x128xf32, #tpu.memory_space<vmem>>) target_semaphore(%arg7 : memref<!tpu.dma_semaphore, #tpu.memory_space<semaphore_mem>>)
    %dma_start3A_135 = arith.constant 7 : i32
    %dma_start3A_136 = arith.constant 0 : i32
    %dma_start3A_137 = arith.constant 0 : i32
    %dma_start3A_138 = arith.constant 0 : i32
    %dma_start3A_139 = tpu.memref_slice %arg5[%dma_start3A_135, %dma_start3A_136, %dma_start3A_137, %dma_start3A_138] : memref<16x3x8x128xf32, #tpu.memory_space<vmem>> -> memref<1x3x8x128xf32, #tpu.memory_space<vmem>>
    %dma_start3A_140 = tpu.memref_squeeze %dma_start3A_139 : memref<1x3x8x128xf32, #tpu.memory_space<vmem>> -> memref<3x8x128xf32, #tpu.memory_space<vmem>>
    %dma_start3A_141 = arith.constant 0 : i32
    %dma_start3A_142 = arith.constant 2312 : i32
    %dma_start3A_143 = tpu.memref_slice %arg2[%dma_start3A_141, %dma_start3A_142, %mul3A_2] : memref<3x6890x4096xf32, #tpu.memory_space<hbm>> -> memref<3x8x128xf32, #tpu.memory_space<hbm>>
    %dma_start3A_144 = arith.constant 0 : i32
    %dma_start3A_145 = arith.constant 0 : i32
    %dma_start3A_146 = arith.constant 0 : i32
    %dma_start3A_147 = tpu.memref_slice %arg5[%dma_start3A_135, %dma_start3A_144, %dma_start3A_145, %dma_start3A_146] : memref<16x3x8x128xf32, #tpu.memory_space<vmem>> -> memref<1x3x8x128xf32, #tpu.memory_space<vmem>>
    %dma_start3A_148 = tpu.memref_squeeze %dma_start3A_147 : memref<1x3x8x128xf32, #tpu.memory_space<vmem>> -> memref<3x8x128xf32, #tpu.memory_space<vmem>>
    %dma_start3A_149 = arith.constant 0 : i32
    %dma_start3A_150 = arith.constant 2312 : i32
    %dma_start3A_151 = tpu.memref_slice %arg2[%dma_start3A_149, %dma_start3A_150, %mul3A_2] : memref<3x6890x4096xf32, #tpu.memory_space<hbm>> -> memref<3x8x128xf32, #tpu.memory_space<hbm>>
    tpu.enqueue_dma source(%dma_start3A_151 : memref<3x8x128xf32, #tpu.memory_space<hbm>>) target(%dma_start3A_148 : memref<3x8x128xf32, #tpu.memory_space<vmem>>) target_semaphore(%arg7 : memref<!tpu.dma_semaphore, #tpu.memory_space<semaphore_mem>>)
    %dma_start3A_152 = arith.constant 8 : i32
    %dma_start3A_153 = arith.constant 0 : i32
    %dma_start3A_154 = arith.constant 0 : i32
    %dma_start3A_155 = arith.constant 0 : i32
    %dma_start3A_156 = tpu.memref_slice %arg5[%dma_start3A_152, %dma_start3A_153, %dma_start3A_154, %dma_start3A_155] : memref<16x3x8x128xf32, #tpu.memory_space<vmem>> -> memref<1x3x8x128xf32, #tpu.memory_space<vmem>>
    %dma_start3A_157 = tpu.memref_squeeze %dma_start3A_156 : memref<1x3x8x128xf32, #tpu.memory_space<vmem>> -> memref<3x8x128xf32, #tpu.memory_space<vmem>>
    %dma_start3A_158 = arith.constant 0 : i32
    %dma_start3A_159 = arith.constant 2440 : i32
    %dma_start3A_160 = tpu.memref_slice %arg2[%dma_start3A_158, %dma_start3A_159, %mul3A_2] : memref<3x6890x4096xf32, #tpu.memory_space<hbm>> -> memref<3x8x128xf32, #tpu.memory_space<hbm>>
    %dma_start3A_161 = arith.constant 0 : i32
    %dma_start3A_162 = arith.constant 0 : i32
    %dma_start3A_163 = arith.constant 0 : i32
    %dma_start3A_164 = tpu.memref_slice %arg5[%dma_start3A_152, %dma_start3A_161, %dma_start3A_162, %dma_start3A_163] : memref<16x3x8x128xf32, #tpu.memory_space<vmem>> -> memref<1x3x8x128xf32, #tpu.memory_space<vmem>>
    %dma_start3A_165 = tpu.memref_squeeze %dma_start3A_164 : memref<1x3x8x128xf32, #tpu.memory_space<vmem>> -> memref<3x8x128xf32, #tpu.memory_space<vmem>>
    %dma_start3A_166 = arith.constant 0 : i32
    %dma_start3A_167 = arith.constant 2440 : i32
    %dma_start3A_168 = tpu.memref_slice %arg2[%dma_start3A_166, %dma_start3A_167, %mul3A_2] : memref<3x6890x4096xf32, #tpu.memory_space<hbm>> -> memref<3x8x128xf32, #tpu.memory_space<hbm>>
    tpu.enqueue_dma source(%dma_start3A_168 : memref<3x8x128xf32, #tpu.memory_space<hbm>>) target(%dma_start3A_165 : memref<3x8x128xf32, #tpu.memory_space<vmem>>) target_semaphore(%arg7 : memref<!tpu.dma_semaphore, #tpu.memory_space<semaphore_mem>>)
    %dma_start3A_169 = arith.constant 9 : i32
    %dma_start3A_170 = arith.constant 0 : i32
    %dma_start3A_171 = arith.constant 0 : i32
    %dma_start3A_172 = arith.constant 0 : i32
    %dma_start3A_173 = tpu.memref_slice %arg5[%dma_start3A_169, %dma_start3A_170, %dma_start3A_171, %dma_start3A_172] : memref<16x3x8x128xf32, #tpu.memory_space<vmem>> -> memref<1x3x8x128xf32, #tpu.memory_space<vmem>>
    %dma_start3A_174 = tpu.memref_squeeze %dma_start3A_173 : memref<1x3x8x128xf32, #tpu.memory_space<vmem>> -> memref<3x8x128xf32, #tpu.memory_space<vmem>>
    %dma_start3A_175 = arith.constant 0 : i32
    %dma_start3A_176 = arith.constant 2552 : i32
    %dma_start3A_177 = tpu.memref_slice %arg2[%dma_start3A_175, %dma_start3A_176, %mul3A_2] : memref<3x6890x4096xf32, #tpu.memory_space<hbm>> -> memref<3x8x128xf32, #tpu.memory_space<hbm>>
    %dma_start3A_178 = arith.constant 0 : i32
    %dma_start3A_179 = arith.constant 0 : i32
    %dma_start3A_180 = arith.constant 0 : i32
    %dma_start3A_181 = tpu.memref_slice %arg5[%dma_start3A_169, %dma_start3A_178, %dma_start3A_179, %dma_start3A_180] : memref<16x3x8x128xf32, #tpu.memory_space<vmem>> -> memref<1x3x8x128xf32, #tpu.memory_space<vmem>>
    %dma_start3A_182 = tpu.memref_squeeze %dma_start3A_181 : memref<1x3x8x128xf32, #tpu.memory_space<vmem>> -> memref<3x8x128xf32, #tpu.memory_space<vmem>>
    %dma_start3A_183 = arith.constant 0 : i32
    %dma_start3A_184 = arith.constant 2552 : i32
    %dma_start3A_185 = tpu.memref_slice %arg2[%dma_start3A_183, %dma_start3A_184, %mul3A_2] : memref<3x6890x4096xf32, #tpu.memory_space<hbm>> -> memref<3x8x128xf32, #tpu.memory_space<hbm>>
    tpu.enqueue_dma source(%dma_start3A_185 : memref<3x8x128xf32, #tpu.memory_space<hbm>>) target(%dma_start3A_182 : memref<3x8x128xf32, #tpu.memory_space<vmem>>) target_semaphore(%arg7 : memref<!tpu.dma_semaphore, #tpu.memory_space<semaphore_mem>>)
    %dma_start3A_186 = arith.constant 10 : i32
    %dma_start3A_187 = arith.constant 0 : i32
    %dma_start3A_188 = arith.constant 0 : i32
    %dma_start3A_189 = arith.constant 0 : i32
    %dma_start3A_190 = tpu.memref_slice %arg5[%dma_start3A_186, %dma_start3A_187, %dma_start3A_188, %dma_start3A_189] : memref<16x3x8x128xf32, #tpu.memory_space<vmem>> -> memref<1x3x8x128xf32, #tpu.memory_space<vmem>>
    %dma_start3A_191 = tpu.memref_squeeze %dma_start3A_190 : memref<1x3x8x128xf32, #tpu.memory_space<vmem>> -> memref<3x8x128xf32, #tpu.memory_space<vmem>>
    %dma_start3A_192 = arith.constant 0 : i32
    %dma_start3A_193 = arith.constant 2672 : i32
    %dma_start3A_194 = tpu.memref_slice %arg2[%dma_start3A_192, %dma_start3A_193, %mul3A_2] : memref<3x6890x4096xf32, #tpu.memory_space<hbm>> -> memref<3x8x128xf32, #tpu.memory_space<hbm>>
    %dma_start3A_195 = arith.constant 0 : i32
    %dma_start3A_196 = arith.constant 0 : i32
    %dma_start3A_197 = arith.constant 0 : i32
    %dma_start3A_198 = tpu.memref_slice %arg5[%dma_start3A_186, %dma_start3A_195, %dma_start3A_196, %dma_start3A_197] : memref<16x3x8x128xf32, #tpu.memory_space<vmem>> -> memref<1x3x8x128xf32, #tpu.memory_space<vmem>>
    %dma_start3A_199 = tpu.memref_squeeze %dma_start3A_198 : memref<1x3x8x128xf32, #tpu.memory_space<vmem>> -> memref<3x8x128xf32, #tpu.memory_space<vmem>>
    %dma_start3A_200 = arith.constant 0 : i32
    %dma_start3A_201 = arith.constant 2672 : i32
    %dma_start3A_202 = tpu.memref_slice %arg2[%dma_start3A_200, %dma_start3A_201, %mul3A_2] : memref<3x6890x4096xf32, #tpu.memory_space<hbm>> -> memref<3x8x128xf32, #tpu.memory_space<hbm>>
    tpu.enqueue_dma source(%dma_start3A_202 : memref<3x8x128xf32, #tpu.memory_space<hbm>>) target(%dma_start3A_199 : memref<3x8x128xf32, #tpu.memory_space<vmem>>) target_semaphore(%arg7 : memref<!tpu.dma_semaphore, #tpu.memory_space<semaphore_mem>>)
    %dma_start3A_203 = arith.constant 11 : i32
    %dma_start3A_204 = arith.constant 0 : i32
    %dma_start3A_205 = arith.constant 0 : i32
    %dma_start3A_206 = arith.constant 0 : i32
    %dma_start3A_207 = tpu.memref_slice %arg5[%dma_start3A_203, %dma_start3A_204, %dma_start3A_205, %dma_start3A_206] : memref<16x3x8x128xf32, #tpu.memory_space<vmem>> -> memref<1x3x8x128xf32, #tpu.memory_space<vmem>>
    %dma_start3A_208 = tpu.memref_squeeze %dma_start3A_207 : memref<1x3x8x128xf32, #tpu.memory_space<vmem>> -> memref<3x8x128xf32, #tpu.memory_space<vmem>>
    %dma_start3A_209 = arith.constant 0 : i32
    %dma_start3A_210 = arith.constant 6184 : i32
    %dma_start3A_211 = tpu.memref_slice %arg2[%dma_start3A_209, %dma_start3A_210, %mul3A_2] : memref<3x6890x4096xf32, #tpu.memory_space<hbm>> -> memref<3x8x128xf32, #tpu.memory_space<hbm>>
    %dma_start3A_212 = arith.constant 0 : i32
    %dma_start3A_213 = arith.constant 0 : i32
    %dma_start3A_214 = arith.constant 0 : i32
    %dma_start3A_215 = tpu.memref_slice %arg5[%dma_start3A_203, %dma_start3A_212, %dma_start3A_213, %dma_start3A_214] : memref<16x3x8x128xf32, #tpu.memory_space<vmem>> -> memref<1x3x8x128xf32, #tpu.memory_space<vmem>>
    %dma_start3A_216 = tpu.memref_squeeze %dma_start3A_215 : memref<1x3x8x128xf32, #tpu.memory_space<vmem>> -> memref<3x8x128xf32, #tpu.memory_space<vmem>>
    %dma_start3A_217 = arith.constant 0 : i32
    %dma_start3A_218 = arith.constant 6184 : i32
    %dma_start3A_219 = tpu.memref_slice %arg2[%dma_start3A_217, %dma_start3A_218, %mul3A_2] : memref<3x6890x4096xf32, #tpu.memory_space<hbm>> -> memref<3x8x128xf32, #tpu.memory_space<hbm>>
    tpu.enqueue_dma source(%dma_start3A_219 : memref<3x8x128xf32, #tpu.memory_space<hbm>>) target(%dma_start3A_216 : memref<3x8x128xf32, #tpu.memory_space<vmem>>) target_semaphore(%arg7 : memref<!tpu.dma_semaphore, #tpu.memory_space<semaphore_mem>>)
    %dma_start3A_220 = arith.constant 12 : i32
    %dma_start3A_221 = arith.constant 0 : i32
    %dma_start3A_222 = arith.constant 0 : i32
    %dma_start3A_223 = arith.constant 0 : i32
    %dma_start3A_224 = tpu.memref_slice %arg5[%dma_start3A_220, %dma_start3A_221, %dma_start3A_222, %dma_start3A_223] : memref<16x3x8x128xf32, #tpu.memory_space<vmem>> -> memref<1x3x8x128xf32, #tpu.memory_space<vmem>>
    %dma_start3A_225 = tpu.memref_squeeze %dma_start3A_224 : memref<1x3x8x128xf32, #tpu.memory_space<vmem>> -> memref<3x8x128xf32, #tpu.memory_space<vmem>>
    %dma_start3A_226 = arith.constant 0 : i32
    %dma_start3A_227 = arith.constant 5776 : i32
    %dma_start3A_228 = tpu.memref_slice %arg2[%dma_start3A_226, %dma_start3A_227, %mul3A_2] : memref<3x6890x4096xf32, #tpu.memory_space<hbm>> -> memref<3x8x128xf32, #tpu.memory_space<hbm>>
    %dma_start3A_229 = arith.constant 0 : i32
    %dma_start3A_230 = arith.constant 0 : i32
    %dma_start3A_231 = arith.constant 0 : i32
    %dma_start3A_232 = tpu.memref_slice %arg5[%dma_start3A_220, %dma_start3A_229, %dma_start3A_230, %dma_start3A_231] : memref<16x3x8x128xf32, #tpu.memory_space<vmem>> -> memref<1x3x8x128xf32, #tpu.memory_space<vmem>>
    %dma_start3A_233 = tpu.memref_squeeze %dma_start3A_232 : memref<1x3x8x128xf32, #tpu.memory_space<vmem>> -> memref<3x8x128xf32, #tpu.memory_space<vmem>>
    %dma_start3A_234 = arith.constant 0 : i32
    %dma_start3A_235 = arith.constant 5776 : i32
    %dma_start3A_236 = tpu.memref_slice %arg2[%dma_start3A_234, %dma_start3A_235, %mul3A_2] : memref<3x6890x4096xf32, #tpu.memory_space<hbm>> -> memref<3x8x128xf32, #tpu.memory_space<hbm>>
    tpu.enqueue_dma source(%dma_start3A_236 : memref<3x8x128xf32, #tpu.memory_space<hbm>>) target(%dma_start3A_233 : memref<3x8x128xf32, #tpu.memory_space<vmem>>) target_semaphore(%arg7 : memref<!tpu.dma_semaphore, #tpu.memory_space<semaphore_mem>>)
    %dma_start3A_237 = arith.constant 13 : i32
    %dma_start3A_238 = arith.constant 0 : i32
    %dma_start3A_239 = arith.constant 0 : i32
    %dma_start3A_240 = arith.constant 0 : i32
    %dma_start3A_241 = tpu.memref_slice %arg5[%dma_start3A_237, %dma_start3A_238, %dma_start3A_239, %dma_start3A_240] : memref<16x3x8x128xf32, #tpu.memory_space<vmem>> -> memref<1x3x8x128xf32, #tpu.memory_space<vmem>>
    %dma_start3A_242 = tpu.memref_squeeze %dma_start3A_241 : memref<1x3x8x128xf32, #tpu.memory_space<vmem>> -> memref<3x8x128xf32, #tpu.memory_space<vmem>>
    %dma_start3A_243 = arith.constant 0 : i32
    %dma_start3A_244 = arith.constant 5904 : i32
    %dma_start3A_245 = tpu.memref_slice %arg2[%dma_start3A_243, %dma_start3A_244, %mul3A_2] : memref<3x6890x4096xf32, #tpu.memory_space<hbm>> -> memref<3x8x128xf32, #tpu.memory_space<hbm>>
    %dma_start3A_246 = arith.constant 0 : i32
    %dma_start3A_247 = arith.constant 0 : i32
    %dma_start3A_248 = arith.constant 0 : i32
    %dma_start3A_249 = tpu.memref_slice %arg5[%dma_start3A_237, %dma_start3A_246, %dma_start3A_247, %dma_start3A_248] : memref<16x3x8x128xf32, #tpu.memory_space<vmem>> -> memref<1x3x8x128xf32, #tpu.memory_space<vmem>>
    %dma_start3A_250 = tpu.memref_squeeze %dma_start3A_249 : memref<1x3x8x128xf32, #tpu.memory_space<vmem>> -> memref<3x8x128xf32, #tpu.memory_space<vmem>>
    %dma_start3A_251 = arith.constant 0 : i32
    %dma_start3A_252 = arith.constant 5904 : i32
    %dma_start3A_253 = tpu.memref_slice %arg2[%dma_start3A_251, %dma_start3A_252, %mul3A_2] : memref<3x6890x4096xf32, #tpu.memory_space<hbm>> -> memref<3x8x128xf32, #tpu.memory_space<hbm>>
    tpu.enqueue_dma source(%dma_start3A_253 : memref<3x8x128xf32, #tpu.memory_space<hbm>>) target(%dma_start3A_250 : memref<3x8x128xf32, #tpu.memory_space<vmem>>) target_semaphore(%arg7 : memref<!tpu.dma_semaphore, #tpu.memory_space<semaphore_mem>>)
    %dma_start3A_254 = arith.constant 14 : i32
    %dma_start3A_255 = arith.constant 0 : i32
    %dma_start3A_256 = arith.constant 0 : i32
    %dma_start3A_257 = arith.constant 0 : i32
    %dma_start3A_258 = tpu.memref_slice %arg5[%dma_start3A_254, %dma_start3A_255, %dma_start3A_256, %dma_start3A_257] : memref<16x3x8x128xf32, #tpu.memory_space<vmem>> -> memref<1x3x8x128xf32, #tpu.memory_space<vmem>>
    %dma_start3A_259 = tpu.memref_squeeze %dma_start3A_258 : memref<1x3x8x128xf32, #tpu.memory_space<vmem>> -> memref<3x8x128xf32, #tpu.memory_space<vmem>>
    %dma_start3A_260 = arith.constant 0 : i32
    %dma_start3A_261 = arith.constant 6016 : i32
    %dma_start3A_262 = tpu.memref_slice %arg2[%dma_start3A_260, %dma_start3A_261, %mul3A_2] : memref<3x6890x4096xf32, #tpu.memory_space<hbm>> -> memref<3x8x128xf32, #tpu.memory_space<hbm>>
    %dma_start3A_263 = arith.constant 0 : i32
    %dma_start3A_264 = arith.constant 0 : i32
    %dma_start3A_265 = arith.constant 0 : i32
    %dma_start3A_266 = tpu.memref_slice %arg5[%dma_start3A_254, %dma_start3A_263, %dma_start3A_264, %dma_start3A_265] : memref<16x3x8x128xf32, #tpu.memory_space<vmem>> -> memref<1x3x8x128xf32, #tpu.memory_space<vmem>>
    %dma_start3A_267 = tpu.memref_squeeze %dma_start3A_266 : memref<1x3x8x128xf32, #tpu.memory_space<vmem>> -> memref<3x8x128xf32, #tpu.memory_space<vmem>>
    %dma_start3A_268 = arith.constant 0 : i32
    %dma_start3A_269 = arith.constant 6016 : i32
    %dma_start3A_270 = tpu.memref_slice %arg2[%dma_start3A_268, %dma_start3A_269, %mul3A_2] : memref<3x6890x4096xf32, #tpu.memory_space<hbm>> -> memref<3x8x128xf32, #tpu.memory_space<hbm>>
    tpu.enqueue_dma source(%dma_start3A_270 : memref<3x8x128xf32, #tpu.memory_space<hbm>>) target(%dma_start3A_267 : memref<3x8x128xf32, #tpu.memory_space<vmem>>) target_semaphore(%arg7 : memref<!tpu.dma_semaphore, #tpu.memory_space<semaphore_mem>>)
    %dma_start3A_271 = arith.constant 15 : i32
    %dma_start3A_272 = arith.constant 0 : i32
    %dma_start3A_273 = arith.constant 0 : i32
    %dma_start3A_274 = arith.constant 0 : i32
    %dma_start3A_275 = tpu.memref_slice %arg5[%dma_start3A_271, %dma_start3A_272, %dma_start3A_273, %dma_start3A_274] : memref<16x3x8x128xf32, #tpu.memory_space<vmem>> -> memref<1x3x8x128xf32, #tpu.memory_space<vmem>>
    %dma_start3A_276 = tpu.memref_squeeze %dma_start3A_275 : memref<1x3x8x128xf32, #tpu.memory_space<vmem>> -> memref<3x8x128xf32, #tpu.memory_space<vmem>>
    %dma_start3A_277 = arith.constant 0 : i32
    %dma_start3A_278 = arith.constant 6128 : i32
    %dma_start3A_279 = tpu.memref_slice %arg2[%dma_start3A_277, %dma_start3A_278, %mul3A_2] : memref<3x6890x4096xf32, #tpu.memory_space<hbm>> -> memref<3x8x128xf32, #tpu.memory_space<hbm>>
    %dma_start3A_280 = arith.constant 0 : i32
    %dma_start3A_281 = arith.constant 0 : i32
    %dma_start3A_282 = arith.constant 0 : i32
    %dma_start3A_283 = tpu.memref_slice %arg5[%dma_start3A_271, %dma_start3A_280, %dma_start3A_281, %dma_start3A_282] : memref<16x3x8x128xf32, #tpu.memory_space<vmem>> -> memref<1x3x8x128xf32, #tpu.memory_space<vmem>>
    %dma_start3A_284 = tpu.memref_squeeze %dma_start3A_283 : memref<1x3x8x128xf32, #tpu.memory_space<vmem>> -> memref<3x8x128xf32, #tpu.memory_space<vmem>>
    %dma_start3A_285 = arith.constant 0 : i32
    %dma_start3A_286 = arith.constant 6128 : i32
    %dma_start3A_287 = tpu.memref_slice %arg2[%dma_start3A_285, %dma_start3A_286, %mul3A_2] : memref<3x6890x4096xf32, #tpu.memory_space<hbm>> -> memref<3x8x128xf32, #tpu.memory_space<hbm>>
    tpu.enqueue_dma source(%dma_start3A_287 : memref<3x8x128xf32, #tpu.memory_space<hbm>>) target(%dma_start3A_284 : memref<3x8x128xf32, #tpu.memory_space<vmem>>) target_semaphore(%arg7 : memref<!tpu.dma_semaphore, #tpu.memory_space<semaphore_mem>>)
    %dma_wait3A = arith.constant 0 : i32
    %dma_wait3A_288 = arith.constant 0 : i32
    %dma_wait3A_289 = arith.constant 0 : i32
    %dma_wait3A_290 = tpu.memref_slice %arg6[%dma_wait3A, %dma_wait3A_288, %dma_wait3A_289] : memref<3x68x128xf32, #tpu.memory_space<vmem>> -> memref<3x52x128xf32, #tpu.memory_space<vmem>>
    %dma_wait3A_291 = arith.constant 0 : i32
    %dma_wait3A_292 = arith.constant 0 : i32
    %dma_wait3A_293 = tpu.memref_slice %arg3[%dma_wait3A_291, %dma_wait3A_292, %mul3A_2] : memref<3x52x4096xf32, #tpu.memory_space<hbm>> -> memref<3x52x128xf32, #tpu.memory_space<hbm>>
    %dma_wait3A_294 = arith.constant 0 : i32
    %dma_wait3A_295 = arith.constant 0 : i32
    %dma_wait3A_296 = arith.constant 0 : i32
    %dma_wait3A_297 = tpu.memref_slice %arg6[%dma_wait3A_294, %dma_wait3A_295, %dma_wait3A_296] : memref<3x68x128xf32, #tpu.memory_space<vmem>> -> memref<3x52x128xf32, #tpu.memory_space<vmem>>
    %dma_wait3A_298 = arith.constant 0 : i32
    %dma_wait3A_299 = arith.constant 0 : i32
    %dma_wait3A_300 = tpu.memref_slice %arg3[%dma_wait3A_298, %dma_wait3A_299, %mul3A_2] : memref<3x52x4096xf32, #tpu.memory_space<hbm>> -> memref<3x52x128xf32, #tpu.memory_space<hbm>>
    tpu.wait_dma2 semaphore(%arg7 : memref<!tpu.dma_semaphore, #tpu.memory_space<semaphore_mem>>) src(%dma_wait3A_300 : memref<3x52x128xf32, #tpu.memory_space<hbm>>) dst(%dma_wait3A_297 : memref<3x52x128xf32, #tpu.memory_space<vmem>>)
    %dma_wait3A_301 = arith.constant 0 : i32
    %dma_wait3A_302 = arith.constant 0 : i32
    %dma_wait3A_303 = arith.constant 0 : i32
    %dma_wait3A_304 = arith.constant 0 : i32
    %dma_wait3A_305 = tpu.memref_slice %arg5[%dma_wait3A_301, %dma_wait3A_302, %dma_wait3A_303, %dma_wait3A_304] : memref<16x3x8x128xf32, #tpu.memory_space<vmem>> -> memref<1x3x8x128xf32, #tpu.memory_space<vmem>>
    %dma_wait3A_306 = tpu.memref_squeeze %dma_wait3A_305 : memref<1x3x8x128xf32, #tpu.memory_space<vmem>> -> memref<3x8x128xf32, #tpu.memory_space<vmem>>
    %dma_wait3A_307 = arith.constant 0 : i32
    %dma_wait3A_308 = arith.constant 3216 : i32
    %dma_wait3A_309 = tpu.memref_slice %arg2[%dma_wait3A_307, %dma_wait3A_308, %mul3A_2] : memref<3x6890x4096xf32, #tpu.memory_space<hbm>> -> memref<3x8x128xf32, #tpu.memory_space<hbm>>
    %dma_wait3A_310 = arith.constant 0 : i32
    %dma_wait3A_311 = arith.constant 0 : i32
    %dma_wait3A_312 = arith.constant 0 : i32
    %dma_wait3A_313 = tpu.memref_slice %arg5[%dma_wait3A_301, %dma_wait3A_310, %dma_wait3A_311, %dma_wait3A_312] : memref<16x3x8x128xf32, #tpu.memory_space<vmem>> -> memref<1x3x8x128xf32, #tpu.memory_space<vmem>>
    %dma_wait3A_314 = tpu.memref_squeeze %dma_wait3A_313 : memref<1x3x8x128xf32, #tpu.memory_space<vmem>> -> memref<3x8x128xf32, #tpu.memory_space<vmem>>
    %dma_wait3A_315 = arith.constant 0 : i32
    %dma_wait3A_316 = arith.constant 3216 : i32
    %dma_wait3A_317 = tpu.memref_slice %arg2[%dma_wait3A_315, %dma_wait3A_316, %mul3A_2] : memref<3x6890x4096xf32, #tpu.memory_space<hbm>> -> memref<3x8x128xf32, #tpu.memory_space<hbm>>
    tpu.wait_dma2 semaphore(%arg7 : memref<!tpu.dma_semaphore, #tpu.memory_space<semaphore_mem>>) src(%dma_wait3A_317 : memref<3x8x128xf32, #tpu.memory_space<hbm>>) dst(%dma_wait3A_314 : memref<3x8x128xf32, #tpu.memory_space<vmem>>)
    %dma_wait3A_318 = arith.constant 1 : i32
    %dma_wait3A_319 = arith.constant 0 : i32
    %dma_wait3A_320 = arith.constant 0 : i32
    %dma_wait3A_321 = arith.constant 0 : i32
    %dma_wait3A_322 = tpu.memref_slice %arg5[%dma_wait3A_318, %dma_wait3A_319, %dma_wait3A_320, %dma_wait3A_321] : memref<16x3x8x128xf32, #tpu.memory_space<vmem>> -> memref<1x3x8x128xf32, #tpu.memory_space<vmem>>
    %dma_wait3A_323 = tpu.memref_squeeze %dma_wait3A_322 : memref<1x3x8x128xf32, #tpu.memory_space<vmem>> -> memref<3x8x128xf32, #tpu.memory_space<vmem>>
    %dma_wait3A_324 = arith.constant 0 : i32
    %dma_wait3A_325 = arith.constant 3224 : i32
    %dma_wait3A_326 = tpu.memref_slice %arg2[%dma_wait3A_324, %dma_wait3A_325, %mul3A_2] : memref<3x6890x4096xf32, #tpu.memory_space<hbm>> -> memref<3x8x128xf32, #tpu.memory_space<hbm>>
    %dma_wait3A_327 = arith.constant 0 : i32
    %dma_wait3A_328 = arith.constant 0 : i32
    %dma_wait3A_329 = arith.constant 0 : i32
    %dma_wait3A_330 = tpu.memref_slice %arg5[%dma_wait3A_318, %dma_wait3A_327, %dma_wait3A_328, %dma_wait3A_329] : memref<16x3x8x128xf32, #tpu.memory_space<vmem>> -> memref<1x3x8x128xf32, #tpu.memory_space<vmem>>
    %dma_wait3A_331 = tpu.memref_squeeze %dma_wait3A_330 : memref<1x3x8x128xf32, #tpu.memory_space<vmem>> -> memref<3x8x128xf32, #tpu.memory_space<vmem>>
    %dma_wait3A_332 = arith.constant 0 : i32
    %dma_wait3A_333 = arith.constant 3224 : i32
    %dma_wait3A_334 = tpu.memref_slice %arg2[%dma_wait3A_332, %dma_wait3A_333, %mul3A_2] : memref<3x6890x4096xf32, #tpu.memory_space<hbm>> -> memref<3x8x128xf32, #tpu.memory_space<hbm>>
    tpu.wait_dma2 semaphore(%arg7 : memref<!tpu.dma_semaphore, #tpu.memory_space<semaphore_mem>>) src(%dma_wait3A_334 : memref<3x8x128xf32, #tpu.memory_space<hbm>>) dst(%dma_wait3A_331 : memref<3x8x128xf32, #tpu.memory_space<vmem>>)
    %dma_wait3A_335 = arith.constant 2 : i32
    %dma_wait3A_336 = arith.constant 0 : i32
    %dma_wait3A_337 = arith.constant 0 : i32
    %dma_wait3A_338 = arith.constant 0 : i32
    %dma_wait3A_339 = tpu.memref_slice %arg5[%dma_wait3A_335, %dma_wait3A_336, %dma_wait3A_337, %dma_wait3A_338] : memref<16x3x8x128xf32, #tpu.memory_space<vmem>> -> memref<1x3x8x128xf32, #tpu.memory_space<vmem>>
    %dma_wait3A_340 = tpu.memref_squeeze %dma_wait3A_339 : memref<1x3x8x128xf32, #tpu.memory_space<vmem>> -> memref<3x8x128xf32, #tpu.memory_space<vmem>>
    %dma_wait3A_341 = arith.constant 0 : i32
    %dma_wait3A_342 = arith.constant 3384 : i32
    %dma_wait3A_343 = tpu.memref_slice %arg2[%dma_wait3A_341, %dma_wait3A_342, %mul3A_2] : memref<3x6890x4096xf32, #tpu.memory_space<hbm>> -> memref<3x8x128xf32, #tpu.memory_space<hbm>>
    %dma_wait3A_344 = arith.constant 0 : i32
    %dma_wait3A_345 = arith.constant 0 : i32
    %dma_wait3A_346 = arith.constant 0 : i32
    %dma_wait3A_347 = tpu.memref_slice %arg5[%dma_wait3A_335, %dma_wait3A_344, %dma_wait3A_345, %dma_wait3A_346] : memref<16x3x8x128xf32, #tpu.memory_space<vmem>> -> memref<1x3x8x128xf32, #tpu.memory_space<vmem>>
    %dma_wait3A_348 = tpu.memref_squeeze %dma_wait3A_347 : memref<1x3x8x128xf32, #tpu.memory_space<vmem>> -> memref<3x8x128xf32, #tpu.memory_space<vmem>>
    %dma_wait3A_349 = arith.constant 0 : i32
    %dma_wait3A_350 = arith.constant 3384 : i32
    %dma_wait3A_351 = tpu.memref_slice %arg2[%dma_wait3A_349, %dma_wait3A_350, %mul3A_2] : memref<3x6890x4096xf32, #tpu.memory_space<hbm>> -> memref<3x8x128xf32, #tpu.memory_space<hbm>>
    tpu.wait_dma2 semaphore(%arg7 : memref<!tpu.dma_semaphore, #tpu.memory_space<semaphore_mem>>) src(%dma_wait3A_351 : memref<3x8x128xf32, #tpu.memory_space<hbm>>) dst(%dma_wait3A_348 : memref<3x8x128xf32, #tpu.memory_space<vmem>>)
    %dma_wait3A_352 = arith.constant 3 : i32
    %dma_wait3A_353 = arith.constant 0 : i32
    %dma_wait3A_354 = arith.constant 0 : i32
    %dma_wait3A_355 = arith.constant 0 : i32
    %dma_wait3A_356 = tpu.memref_slice %arg5[%dma_wait3A_352, %dma_wait3A_353, %dma_wait3A_354, %dma_wait3A_355] : memref<16x3x8x128xf32, #tpu.memory_space<vmem>> -> memref<1x3x8x128xf32, #tpu.memory_space<vmem>>
    %dma_wait3A_357 = tpu.memref_squeeze %dma_wait3A_356 : memref<1x3x8x128xf32, #tpu.memory_space<vmem>> -> memref<3x8x128xf32, #tpu.memory_space<vmem>>
    %dma_wait3A_358 = arith.constant 0 : i32
    %dma_wait3A_359 = arith.constant 6616 : i32
    %dma_wait3A_360 = tpu.memref_slice %arg2[%dma_wait3A_358, %dma_wait3A_359, %mul3A_2] : memref<3x6890x4096xf32, #tpu.memory_space<hbm>> -> memref<3x8x128xf32, #tpu.memory_space<hbm>>
    %dma_wait3A_361 = arith.constant 0 : i32
    %dma_wait3A_362 = arith.constant 0 : i32
    %dma_wait3A_363 = arith.constant 0 : i32
    %dma_wait3A_364 = tpu.memref_slice %arg5[%dma_wait3A_352, %dma_wait3A_361, %dma_wait3A_362, %dma_wait3A_363] : memref<16x3x8x128xf32, #tpu.memory_space<vmem>> -> memref<1x3x8x128xf32, #tpu.memory_space<vmem>>
    %dma_wait3A_365 = tpu.memref_squeeze %dma_wait3A_364 : memref<1x3x8x128xf32, #tpu.memory_space<vmem>> -> memref<3x8x128xf32, #tpu.memory_space<vmem>>
    %dma_wait3A_366 = arith.constant 0 : i32
    %dma_wait3A_367 = arith.constant 6616 : i32
    %dma_wait3A_368 = tpu.memref_slice %arg2[%dma_wait3A_366, %dma_wait3A_367, %mul3A_2] : memref<3x6890x4096xf32, #tpu.memory_space<hbm>> -> memref<3x8x128xf32, #tpu.memory_space<hbm>>
    tpu.wait_dma2 semaphore(%arg7 : memref<!tpu.dma_semaphore, #tpu.memory_space<semaphore_mem>>) src(%dma_wait3A_368 : memref<3x8x128xf32, #tpu.memory_space<hbm>>) dst(%dma_wait3A_365 : memref<3x8x128xf32, #tpu.memory_space<vmem>>)
    %dma_wait3A_369 = arith.constant 4 : i32
    %dma_wait3A_370 = arith.constant 0 : i32
    %dma_wait3A_371 = arith.constant 0 : i32
    %dma_wait3A_372 = arith.constant 0 : i32
    %dma_wait3A_373 = tpu.memref_slice %arg5[%dma_wait3A_369, %dma_wait3A_370, %dma_wait3A_371, %dma_wait3A_372] : memref<16x3x8x128xf32, #tpu.memory_space<vmem>> -> memref<1x3x8x128xf32, #tpu.memory_space<vmem>>
    %dma_wait3A_374 = tpu.memref_squeeze %dma_wait3A_373 : memref<1x3x8x128xf32, #tpu.memory_space<vmem>> -> memref<3x8x128xf32, #tpu.memory_space<vmem>>
    %dma_wait3A_375 = arith.constant 0 : i32
    %dma_wait3A_376 = arith.constant 6624 : i32
    %dma_wait3A_377 = tpu.memref_slice %arg2[%dma_wait3A_375, %dma_wait3A_376, %mul3A_2] : memref<3x6890x4096xf32, #tpu.memory_space<hbm>> -> memref<3x8x128xf32, #tpu.memory_space<hbm>>
    %dma_wait3A_378 = arith.constant 0 : i32
    %dma_wait3A_379 = arith.constant 0 : i32
    %dma_wait3A_380 = arith.constant 0 : i32
    %dma_wait3A_381 = tpu.memref_slice %arg5[%dma_wait3A_369, %dma_wait3A_378, %dma_wait3A_379, %dma_wait3A_380] : memref<16x3x8x128xf32, #tpu.memory_space<vmem>> -> memref<1x3x8x128xf32, #tpu.memory_space<vmem>>
    %dma_wait3A_382 = tpu.memref_squeeze %dma_wait3A_381 : memref<1x3x8x128xf32, #tpu.memory_space<vmem>> -> memref<3x8x128xf32, #tpu.memory_space<vmem>>
    %dma_wait3A_383 = arith.constant 0 : i32
    %dma_wait3A_384 = arith.constant 6624 : i32
    %dma_wait3A_385 = tpu.memref_slice %arg2[%dma_wait3A_383, %dma_wait3A_384, %mul3A_2] : memref<3x6890x4096xf32, #tpu.memory_space<hbm>> -> memref<3x8x128xf32, #tpu.memory_space<hbm>>
    tpu.wait_dma2 semaphore(%arg7 : memref<!tpu.dma_semaphore, #tpu.memory_space<semaphore_mem>>) src(%dma_wait3A_385 : memref<3x8x128xf32, #tpu.memory_space<hbm>>) dst(%dma_wait3A_382 : memref<3x8x128xf32, #tpu.memory_space<vmem>>)
    %dma_wait3A_386 = arith.constant 5 : i32
    %dma_wait3A_387 = arith.constant 0 : i32
    %dma_wait3A_388 = arith.constant 0 : i32
    %dma_wait3A_389 = arith.constant 0 : i32
    %dma_wait3A_390 = tpu.memref_slice %arg5[%dma_wait3A_386, %dma_wait3A_387, %dma_wait3A_388, %dma_wait3A_389] : memref<16x3x8x128xf32, #tpu.memory_space<vmem>> -> memref<1x3x8x128xf32, #tpu.memory_space<vmem>>
    %dma_wait3A_391 = tpu.memref_squeeze %dma_wait3A_390 : memref<1x3x8x128xf32, #tpu.memory_space<vmem>> -> memref<3x8x128xf32, #tpu.memory_space<vmem>>
    %dma_wait3A_392 = arith.constant 0 : i32
    %dma_wait3A_393 = arith.constant 6784 : i32
    %dma_wait3A_394 = tpu.memref_slice %arg2[%dma_wait3A_392, %dma_wait3A_393, %mul3A_2] : memref<3x6890x4096xf32, #tpu.memory_space<hbm>> -> memref<3x8x128xf32, #tpu.memory_space<hbm>>
    %dma_wait3A_395 = arith.constant 0 : i32
    %dma_wait3A_396 = arith.constant 0 : i32
    %dma_wait3A_397 = arith.constant 0 : i32
    %dma_wait3A_398 = tpu.memref_slice %arg5[%dma_wait3A_386, %dma_wait3A_395, %dma_wait3A_396, %dma_wait3A_397] : memref<16x3x8x128xf32, #tpu.memory_space<vmem>> -> memref<1x3x8x128xf32, #tpu.memory_space<vmem>>
    %dma_wait3A_399 = tpu.memref_squeeze %dma_wait3A_398 : memref<1x3x8x128xf32, #tpu.memory_space<vmem>> -> memref<3x8x128xf32, #tpu.memory_space<vmem>>
    %dma_wait3A_400 = arith.constant 0 : i32
    %dma_wait3A_401 = arith.constant 6784 : i32
    %dma_wait3A_402 = tpu.memref_slice %arg2[%dma_wait3A_400, %dma_wait3A_401, %mul3A_2] : memref<3x6890x4096xf32, #tpu.memory_space<hbm>> -> memref<3x8x128xf32, #tpu.memory_space<hbm>>
    tpu.wait_dma2 semaphore(%arg7 : memref<!tpu.dma_semaphore, #tpu.memory_space<semaphore_mem>>) src(%dma_wait3A_402 : memref<3x8x128xf32, #tpu.memory_space<hbm>>) dst(%dma_wait3A_399 : memref<3x8x128xf32, #tpu.memory_space<vmem>>)
    %dma_wait3A_403 = arith.constant 6 : i32
    %dma_wait3A_404 = arith.constant 0 : i32
    %dma_wait3A_405 = arith.constant 0 : i32
    %dma_wait3A_406 = arith.constant 0 : i32
    %dma_wait3A_407 = tpu.memref_slice %arg5[%dma_wait3A_403, %dma_wait3A_404, %dma_wait3A_405, %dma_wait3A_406] : memref<16x3x8x128xf32, #tpu.memory_space<vmem>> -> memref<1x3x8x128xf32, #tpu.memory_space<vmem>>
    %dma_wait3A_408 = tpu.memref_squeeze %dma_wait3A_407 : memref<1x3x8x128xf32, #tpu.memory_space<vmem>> -> memref<3x8x128xf32, #tpu.memory_space<vmem>>
    %dma_wait3A_409 = arith.constant 0 : i32
    %dma_wait3A_410 = arith.constant 2744 : i32
    %dma_wait3A_411 = tpu.memref_slice %arg2[%dma_wait3A_409, %dma_wait3A_410, %mul3A_2] : memref<3x6890x4096xf32, #tpu.memory_space<hbm>> -> memref<3x8x128xf32, #tpu.memory_space<hbm>>
    %dma_wait3A_412 = arith.constant 0 : i32
    %dma_wait3A_413 = arith.constant 0 : i32
    %dma_wait3A_414 = arith.constant 0 : i32
    %dma_wait3A_415 = tpu.memref_slice %arg5[%dma_wait3A_403, %dma_wait3A_412, %dma_wait3A_413, %dma_wait3A_414] : memref<16x3x8x128xf32, #tpu.memory_space<vmem>> -> memref<1x3x8x128xf32, #tpu.memory_space<vmem>>
    %dma_wait3A_416 = tpu.memref_squeeze %dma_wait3A_415 : memref<1x3x8x128xf32, #tpu.memory_space<vmem>> -> memref<3x8x128xf32, #tpu.memory_space<vmem>>
    %dma_wait3A_417 = arith.constant 0 : i32
    %dma_wait3A_418 = arith.constant 2744 : i32
    %dma_wait3A_419 = tpu.memref_slice %arg2[%dma_wait3A_417, %dma_wait3A_418, %mul3A_2] : memref<3x6890x4096xf32, #tpu.memory_space<hbm>> -> memref<3x8x128xf32, #tpu.memory_space<hbm>>
    tpu.wait_dma2 semaphore(%arg7 : memref<!tpu.dma_semaphore, #tpu.memory_space<semaphore_mem>>) src(%dma_wait3A_419 : memref<3x8x128xf32, #tpu.memory_space<hbm>>) dst(%dma_wait3A_416 : memref<3x8x128xf32, #tpu.memory_space<vmem>>)
    %dma_wait3A_420 = arith.constant 7 : i32
    %dma_wait3A_421 = arith.constant 0 : i32
    %dma_wait3A_422 = arith.constant 0 : i32
    %dma_wait3A_423 = arith.constant 0 : i32
    %dma_wait3A_424 = tpu.memref_slice %arg5[%dma_wait3A_420, %dma_wait3A_421, %dma_wait3A_422, %dma_wait3A_423] : memref<16x3x8x128xf32, #tpu.memory_space<vmem>> -> memref<1x3x8x128xf32, #tpu.memory_space<vmem>>
    %dma_wait3A_425 = tpu.memref_squeeze %dma_wait3A_424 : memref<1x3x8x128xf32, #tpu.memory_space<vmem>> -> memref<3x8x128xf32, #tpu.memory_space<vmem>>
    %dma_wait3A_426 = arith.constant 0 : i32
    %dma_wait3A_427 = arith.constant 2312 : i32
    %dma_wait3A_428 = tpu.memref_slice %arg2[%dma_wait3A_426, %dma_wait3A_427, %mul3A_2] : memref<3x6890x4096xf32, #tpu.memory_space<hbm>> -> memref<3x8x128xf32, #tpu.memory_space<hbm>>
    %dma_wait3A_429 = arith.constant 0 : i32
    %dma_wait3A_430 = arith.constant 0 : i32
    %dma_wait3A_431 = arith.constant 0 : i32
    %dma_wait3A_432 = tpu.memref_slice %arg5[%dma_wait3A_420, %dma_wait3A_429, %dma_wait3A_430, %dma_wait3A_431] : memref<16x3x8x128xf32, #tpu.memory_space<vmem>> -> memref<1x3x8x128xf32, #tpu.memory_space<vmem>>
    %dma_wait3A_433 = tpu.memref_squeeze %dma_wait3A_432 : memref<1x3x8x128xf32, #tpu.memory_space<vmem>> -> memref<3x8x128xf32, #tpu.memory_space<vmem>>
    %dma_wait3A_434 = arith.constant 0 : i32
    %dma_wait3A_435 = arith.constant 2312 : i32
    %dma_wait3A_436 = tpu.memref_slice %arg2[%dma_wait3A_434, %dma_wait3A_435, %mul3A_2] : memref<3x6890x4096xf32, #tpu.memory_space<hbm>> -> memref<3x8x128xf32, #tpu.memory_space<hbm>>
    tpu.wait_dma2 semaphore(%arg7 : memref<!tpu.dma_semaphore, #tpu.memory_space<semaphore_mem>>) src(%dma_wait3A_436 : memref<3x8x128xf32, #tpu.memory_space<hbm>>) dst(%dma_wait3A_433 : memref<3x8x128xf32, #tpu.memory_space<vmem>>)
    %dma_wait3A_437 = arith.constant 8 : i32
    %dma_wait3A_438 = arith.constant 0 : i32
    %dma_wait3A_439 = arith.constant 0 : i32
    %dma_wait3A_440 = arith.constant 0 : i32
    %dma_wait3A_441 = tpu.memref_slice %arg5[%dma_wait3A_437, %dma_wait3A_438, %dma_wait3A_439, %dma_wait3A_440] : memref<16x3x8x128xf32, #tpu.memory_space<vmem>> -> memref<1x3x8x128xf32, #tpu.memory_space<vmem>>
    %dma_wait3A_442 = tpu.memref_squeeze %dma_wait3A_441 : memref<1x3x8x128xf32, #tpu.memory_space<vmem>> -> memref<3x8x128xf32, #tpu.memory_space<vmem>>
    %dma_wait3A_443 = arith.constant 0 : i32
    %dma_wait3A_444 = arith.constant 2440 : i32
    %dma_wait3A_445 = tpu.memref_slice %arg2[%dma_wait3A_443, %dma_wait3A_444, %mul3A_2] : memref<3x6890x4096xf32, #tpu.memory_space<hbm>> -> memref<3x8x128xf32, #tpu.memory_space<hbm>>
    %dma_wait3A_446 = arith.constant 0 : i32
    %dma_wait3A_447 = arith.constant 0 : i32
    %dma_wait3A_448 = arith.constant 0 : i32
    %dma_wait3A_449 = tpu.memref_slice %arg5[%dma_wait3A_437, %dma_wait3A_446, %dma_wait3A_447, %dma_wait3A_448] : memref<16x3x8x128xf32, #tpu.memory_space<vmem>> -> memref<1x3x8x128xf32, #tpu.memory_space<vmem>>
    %dma_wait3A_450 = tpu.memref_squeeze %dma_wait3A_449 : memref<1x3x8x128xf32, #tpu.memory_space<vmem>> -> memref<3x8x128xf32, #tpu.memory_space<vmem>>
    %dma_wait3A_451 = arith.constant 0 : i32
    %dma_wait3A_452 = arith.constant 2440 : i32
    %dma_wait3A_453 = tpu.memref_slice %arg2[%dma_wait3A_451, %dma_wait3A_452, %mul3A_2] : memref<3x6890x4096xf32, #tpu.memory_space<hbm>> -> memref<3x8x128xf32, #tpu.memory_space<hbm>>
    tpu.wait_dma2 semaphore(%arg7 : memref<!tpu.dma_semaphore, #tpu.memory_space<semaphore_mem>>) src(%dma_wait3A_453 : memref<3x8x128xf32, #tpu.memory_space<hbm>>) dst(%dma_wait3A_450 : memref<3x8x128xf32, #tpu.memory_space<vmem>>)
    %dma_wait3A_454 = arith.constant 9 : i32
    %dma_wait3A_455 = arith.constant 0 : i32
    %dma_wait3A_456 = arith.constant 0 : i32
    %dma_wait3A_457 = arith.constant 0 : i32
    %dma_wait3A_458 = tpu.memref_slice %arg5[%dma_wait3A_454, %dma_wait3A_455, %dma_wait3A_456, %dma_wait3A_457] : memref<16x3x8x128xf32, #tpu.memory_space<vmem>> -> memref<1x3x8x128xf32, #tpu.memory_space<vmem>>
    %dma_wait3A_459 = tpu.memref_squeeze %dma_wait3A_458 : memref<1x3x8x128xf32, #tpu.memory_space<vmem>> -> memref<3x8x128xf32, #tpu.memory_space<vmem>>
    %dma_wait3A_460 = arith.constant 0 : i32
    %dma_wait3A_461 = arith.constant 2552 : i32
    %dma_wait3A_462 = tpu.memref_slice %arg2[%dma_wait3A_460, %dma_wait3A_461, %mul3A_2] : memref<3x6890x4096xf32, #tpu.memory_space<hbm>> -> memref<3x8x128xf32, #tpu.memory_space<hbm>>
    %dma_wait3A_463 = arith.constant 0 : i32
    %dma_wait3A_464 = arith.constant 0 : i32
    %dma_wait3A_465 = arith.constant 0 : i32
    %dma_wait3A_466 = tpu.memref_slice %arg5[%dma_wait3A_454, %dma_wait3A_463, %dma_wait3A_464, %dma_wait3A_465] : memref<16x3x8x128xf32, #tpu.memory_space<vmem>> -> memref<1x3x8x128xf32, #tpu.memory_space<vmem>>
    %dma_wait3A_467 = tpu.memref_squeeze %dma_wait3A_466 : memref<1x3x8x128xf32, #tpu.memory_space<vmem>> -> memref<3x8x128xf32, #tpu.memory_space<vmem>>
    %dma_wait3A_468 = arith.constant 0 : i32
    %dma_wait3A_469 = arith.constant 2552 : i32
    %dma_wait3A_470 = tpu.memref_slice %arg2[%dma_wait3A_468, %dma_wait3A_469, %mul3A_2] : memref<3x6890x4096xf32, #tpu.memory_space<hbm>> -> memref<3x8x128xf32, #tpu.memory_space<hbm>>
    tpu.wait_dma2 semaphore(%arg7 : memref<!tpu.dma_semaphore, #tpu.memory_space<semaphore_mem>>) src(%dma_wait3A_470 : memref<3x8x128xf32, #tpu.memory_space<hbm>>) dst(%dma_wait3A_467 : memref<3x8x128xf32, #tpu.memory_space<vmem>>)
    %dma_wait3A_471 = arith.constant 10 : i32
    %dma_wait3A_472 = arith.constant 0 : i32
    %dma_wait3A_473 = arith.constant 0 : i32
    %dma_wait3A_474 = arith.constant 0 : i32
    %dma_wait3A_475 = tpu.memref_slice %arg5[%dma_wait3A_471, %dma_wait3A_472, %dma_wait3A_473, %dma_wait3A_474] : memref<16x3x8x128xf32, #tpu.memory_space<vmem>> -> memref<1x3x8x128xf32, #tpu.memory_space<vmem>>
    %dma_wait3A_476 = tpu.memref_squeeze %dma_wait3A_475 : memref<1x3x8x128xf32, #tpu.memory_space<vmem>> -> memref<3x8x128xf32, #tpu.memory_space<vmem>>
    %dma_wait3A_477 = arith.constant 0 : i32
    %dma_wait3A_478 = arith.constant 2672 : i32
    %dma_wait3A_479 = tpu.memref_slice %arg2[%dma_wait3A_477, %dma_wait3A_478, %mul3A_2] : memref<3x6890x4096xf32, #tpu.memory_space<hbm>> -> memref<3x8x128xf32, #tpu.memory_space<hbm>>
    %dma_wait3A_480 = arith.constant 0 : i32
    %dma_wait3A_481 = arith.constant 0 : i32
    %dma_wait3A_482 = arith.constant 0 : i32
    %dma_wait3A_483 = tpu.memref_slice %arg5[%dma_wait3A_471, %dma_wait3A_480, %dma_wait3A_481, %dma_wait3A_482] : memref<16x3x8x128xf32, #tpu.memory_space<vmem>> -> memref<1x3x8x128xf32, #tpu.memory_space<vmem>>
    %dma_wait3A_484 = tpu.memref_squeeze %dma_wait3A_483 : memref<1x3x8x128xf32, #tpu.memory_space<vmem>> -> memref<3x8x128xf32, #tpu.memory_space<vmem>>
    %dma_wait3A_485 = arith.constant 0 : i32
    %dma_wait3A_486 = arith.constant 2672 : i32
    %dma_wait3A_487 = tpu.memref_slice %arg2[%dma_wait3A_485, %dma_wait3A_486, %mul3A_2] : memref<3x6890x4096xf32, #tpu.memory_space<hbm>> -> memref<3x8x128xf32, #tpu.memory_space<hbm>>
    tpu.wait_dma2 semaphore(%arg7 : memref<!tpu.dma_semaphore, #tpu.memory_space<semaphore_mem>>) src(%dma_wait3A_487 : memref<3x8x128xf32, #tpu.memory_space<hbm>>) dst(%dma_wait3A_484 : memref<3x8x128xf32, #tpu.memory_space<vmem>>)
    %dma_wait3A_488 = arith.constant 11 : i32
    %dma_wait3A_489 = arith.constant 0 : i32
    %dma_wait3A_490 = arith.constant 0 : i32
    %dma_wait3A_491 = arith.constant 0 : i32
    %dma_wait3A_492 = tpu.memref_slice %arg5[%dma_wait3A_488, %dma_wait3A_489, %dma_wait3A_490, %dma_wait3A_491] : memref<16x3x8x128xf32, #tpu.memory_space<vmem>> -> memref<1x3x8x128xf32, #tpu.memory_space<vmem>>
    %dma_wait3A_493 = tpu.memref_squeeze %dma_wait3A_492 : memref<1x3x8x128xf32, #tpu.memory_space<vmem>> -> memref<3x8x128xf32, #tpu.memory_space<vmem>>
    %dma_wait3A_494 = arith.constant 0 : i32
    %dma_wait3A_495 = arith.constant 6184 : i32
    %dma_wait3A_496 = tpu.memref_slice %arg2[%dma_wait3A_494, %dma_wait3A_495, %mul3A_2] : memref<3x6890x4096xf32, #tpu.memory_space<hbm>> -> memref<3x8x128xf32, #tpu.memory_space<hbm>>
    %dma_wait3A_497 = arith.constant 0 : i32
    %dma_wait3A_498 = arith.constant 0 : i32
    %dma_wait3A_499 = arith.constant 0 : i32
    %dma_wait3A_500 = tpu.memref_slice %arg5[%dma_wait3A_488, %dma_wait3A_497, %dma_wait3A_498, %dma_wait3A_499] : memref<16x3x8x128xf32, #tpu.memory_space<vmem>> -> memref<1x3x8x128xf32, #tpu.memory_space<vmem>>
    %dma_wait3A_501 = tpu.memref_squeeze %dma_wait3A_500 : memref<1x3x8x128xf32, #tpu.memory_space<vmem>> -> memref<3x8x128xf32, #tpu.memory_space<vmem>>
    %dma_wait3A_502 = arith.constant 0 : i32
    %dma_wait3A_503 = arith.constant 6184 : i32
    %dma_wait3A_504 = tpu.memref_slice %arg2[%dma_wait3A_502, %dma_wait3A_503, %mul3A_2] : memref<3x6890x4096xf32, #tpu.memory_space<hbm>> -> memref<3x8x128xf32, #tpu.memory_space<hbm>>
    tpu.wait_dma2 semaphore(%arg7 : memref<!tpu.dma_semaphore, #tpu.memory_space<semaphore_mem>>) src(%dma_wait3A_504 : memref<3x8x128xf32, #tpu.memory_space<hbm>>) dst(%dma_wait3A_501 : memref<3x8x128xf32, #tpu.memory_space<vmem>>)
    %dma_wait3A_505 = arith.constant 12 : i32
    %dma_wait3A_506 = arith.constant 0 : i32
    %dma_wait3A_507 = arith.constant 0 : i32
    %dma_wait3A_508 = arith.constant 0 : i32
    %dma_wait3A_509 = tpu.memref_slice %arg5[%dma_wait3A_505, %dma_wait3A_506, %dma_wait3A_507, %dma_wait3A_508] : memref<16x3x8x128xf32, #tpu.memory_space<vmem>> -> memref<1x3x8x128xf32, #tpu.memory_space<vmem>>
    %dma_wait3A_510 = tpu.memref_squeeze %dma_wait3A_509 : memref<1x3x8x128xf32, #tpu.memory_space<vmem>> -> memref<3x8x128xf32, #tpu.memory_space<vmem>>
    %dma_wait3A_511 = arith.constant 0 : i32
    %dma_wait3A_512 = arith.constant 5776 : i32
    %dma_wait3A_513 = tpu.memref_slice %arg2[%dma_wait3A_511, %dma_wait3A_512, %mul3A_2] : memref<3x6890x4096xf32, #tpu.memory_space<hbm>> -> memref<3x8x128xf32, #tpu.memory_space<hbm>>
    %dma_wait3A_514 = arith.constant 0 : i32
    %dma_wait3A_515 = arith.constant 0 : i32
    %dma_wait3A_516 = arith.constant 0 : i32
    %dma_wait3A_517 = tpu.memref_slice %arg5[%dma_wait3A_505, %dma_wait3A_514, %dma_wait3A_515, %dma_wait3A_516] : memref<16x3x8x128xf32, #tpu.memory_space<vmem>> -> memref<1x3x8x128xf32, #tpu.memory_space<vmem>>
    %dma_wait3A_518 = tpu.memref_squeeze %dma_wait3A_517 : memref<1x3x8x128xf32, #tpu.memory_space<vmem>> -> memref<3x8x128xf32, #tpu.memory_space<vmem>>
    %dma_wait3A_519 = arith.constant 0 : i32
    %dma_wait3A_520 = arith.constant 5776 : i32
    %dma_wait3A_521 = tpu.memref_slice %arg2[%dma_wait3A_519, %dma_wait3A_520, %mul3A_2] : memref<3x6890x4096xf32, #tpu.memory_space<hbm>> -> memref<3x8x128xf32, #tpu.memory_space<hbm>>
    tpu.wait_dma2 semaphore(%arg7 : memref<!tpu.dma_semaphore, #tpu.memory_space<semaphore_mem>>) src(%dma_wait3A_521 : memref<3x8x128xf32, #tpu.memory_space<hbm>>) dst(%dma_wait3A_518 : memref<3x8x128xf32, #tpu.memory_space<vmem>>)
    %dma_wait3A_522 = arith.constant 13 : i32
    %dma_wait3A_523 = arith.constant 0 : i32
    %dma_wait3A_524 = arith.constant 0 : i32
    %dma_wait3A_525 = arith.constant 0 : i32
    %dma_wait3A_526 = tpu.memref_slice %arg5[%dma_wait3A_522, %dma_wait3A_523, %dma_wait3A_524, %dma_wait3A_525] : memref<16x3x8x128xf32, #tpu.memory_space<vmem>> -> memref<1x3x8x128xf32, #tpu.memory_space<vmem>>
    %dma_wait3A_527 = tpu.memref_squeeze %dma_wait3A_526 : memref<1x3x8x128xf32, #tpu.memory_space<vmem>> -> memref<3x8x128xf32, #tpu.memory_space<vmem>>
    %dma_wait3A_528 = arith.constant 0 : i32
    %dma_wait3A_529 = arith.constant 5904 : i32
    %dma_wait3A_530 = tpu.memref_slice %arg2[%dma_wait3A_528, %dma_wait3A_529, %mul3A_2] : memref<3x6890x4096xf32, #tpu.memory_space<hbm>> -> memref<3x8x128xf32, #tpu.memory_space<hbm>>
    %dma_wait3A_531 = arith.constant 0 : i32
    %dma_wait3A_532 = arith.constant 0 : i32
    %dma_wait3A_533 = arith.constant 0 : i32
    %dma_wait3A_534 = tpu.memref_slice %arg5[%dma_wait3A_522, %dma_wait3A_531, %dma_wait3A_532, %dma_wait3A_533] : memref<16x3x8x128xf32, #tpu.memory_space<vmem>> -> memref<1x3x8x128xf32, #tpu.memory_space<vmem>>
    %dma_wait3A_535 = tpu.memref_squeeze %dma_wait3A_534 : memref<1x3x8x128xf32, #tpu.memory_space<vmem>> -> memref<3x8x128xf32, #tpu.memory_space<vmem>>
    %dma_wait3A_536 = arith.constant 0 : i32
    %dma_wait3A_537 = arith.constant 5904 : i32
    %dma_wait3A_538 = tpu.memref_slice %arg2[%dma_wait3A_536, %dma_wait3A_537, %mul3A_2] : memref<3x6890x4096xf32, #tpu.memory_space<hbm>> -> memref<3x8x128xf32, #tpu.memory_space<hbm>>
    tpu.wait_dma2 semaphore(%arg7 : memref<!tpu.dma_semaphore, #tpu.memory_space<semaphore_mem>>) src(%dma_wait3A_538 : memref<3x8x128xf32, #tpu.memory_space<hbm>>) dst(%dma_wait3A_535 : memref<3x8x128xf32, #tpu.memory_space<vmem>>)
    %dma_wait3A_539 = arith.constant 14 : i32
    %dma_wait3A_540 = arith.constant 0 : i32
    %dma_wait3A_541 = arith.constant 0 : i32
    %dma_wait3A_542 = arith.constant 0 : i32
    %dma_wait3A_543 = tpu.memref_slice %arg5[%dma_wait3A_539, %dma_wait3A_540, %dma_wait3A_541, %dma_wait3A_542] : memref<16x3x8x128xf32, #tpu.memory_space<vmem>> -> memref<1x3x8x128xf32, #tpu.memory_space<vmem>>
    %dma_wait3A_544 = tpu.memref_squeeze %dma_wait3A_543 : memref<1x3x8x128xf32, #tpu.memory_space<vmem>> -> memref<3x8x128xf32, #tpu.memory_space<vmem>>
    %dma_wait3A_545 = arith.constant 0 : i32
    %dma_wait3A_546 = arith.constant 6016 : i32
    %dma_wait3A_547 = tpu.memref_slice %arg2[%dma_wait3A_545, %dma_wait3A_546, %mul3A_2] : memref<3x6890x4096xf32, #tpu.memory_space<hbm>> -> memref<3x8x128xf32, #tpu.memory_space<hbm>>
    %dma_wait3A_548 = arith.constant 0 : i32
    %dma_wait3A_549 = arith.constant 0 : i32
    %dma_wait3A_550 = arith.constant 0 : i32
    %dma_wait3A_551 = tpu.memref_slice %arg5[%dma_wait3A_539, %dma_wait3A_548, %dma_wait3A_549, %dma_wait3A_550] : memref<16x3x8x128xf32, #tpu.memory_space<vmem>> -> memref<1x3x8x128xf32, #tpu.memory_space<vmem>>
    %dma_wait3A_552 = tpu.memref_squeeze %dma_wait3A_551 : memref<1x3x8x128xf32, #tpu.memory_space<vmem>> -> memref<3x8x128xf32, #tpu.memory_space<vmem>>
    %dma_wait3A_553 = arith.constant 0 : i32
    %dma_wait3A_554 = arith.constant 6016 : i32
    %dma_wait3A_555 = tpu.memref_slice %arg2[%dma_wait3A_553, %dma_wait3A_554, %mul3A_2] : memref<3x6890x4096xf32, #tpu.memory_space<hbm>> -> memref<3x8x128xf32, #tpu.memory_space<hbm>>
    tpu.wait_dma2 semaphore(%arg7 : memref<!tpu.dma_semaphore, #tpu.memory_space<semaphore_mem>>) src(%dma_wait3A_555 : memref<3x8x128xf32, #tpu.memory_space<hbm>>) dst(%dma_wait3A_552 : memref<3x8x128xf32, #tpu.memory_space<vmem>>)
    %dma_wait3A_556 = arith.constant 15 : i32
    %dma_wait3A_557 = arith.constant 0 : i32
    %dma_wait3A_558 = arith.constant 0 : i32
    %dma_wait3A_559 = arith.constant 0 : i32
    %dma_wait3A_560 = tpu.memref_slice %arg5[%dma_wait3A_556, %dma_wait3A_557, %dma_wait3A_558, %dma_wait3A_559] : memref<16x3x8x128xf32, #tpu.memory_space<vmem>> -> memref<1x3x8x128xf32, #tpu.memory_space<vmem>>
    %dma_wait3A_561 = tpu.memref_squeeze %dma_wait3A_560 : memref<1x3x8x128xf32, #tpu.memory_space<vmem>> -> memref<3x8x128xf32, #tpu.memory_space<vmem>>
    %dma_wait3A_562 = arith.constant 0 : i32
    %dma_wait3A_563 = arith.constant 6128 : i32
    %dma_wait3A_564 = tpu.memref_slice %arg2[%dma_wait3A_562, %dma_wait3A_563, %mul3A_2] : memref<3x6890x4096xf32, #tpu.memory_space<hbm>> -> memref<3x8x128xf32, #tpu.memory_space<hbm>>
    %dma_wait3A_565 = arith.constant 0 : i32
    %dma_wait3A_566 = arith.constant 0 : i32
    %dma_wait3A_567 = arith.constant 0 : i32
    %dma_wait3A_568 = tpu.memref_slice %arg5[%dma_wait3A_556, %dma_wait3A_565, %dma_wait3A_566, %dma_wait3A_567] : memref<16x3x8x128xf32, #tpu.memory_space<vmem>> -> memref<1x3x8x128xf32, #tpu.memory_space<vmem>>
    %dma_wait3A_569 = tpu.memref_squeeze %dma_wait3A_568 : memref<1x3x8x128xf32, #tpu.memory_space<vmem>> -> memref<3x8x128xf32, #tpu.memory_space<vmem>>
    %dma_wait3A_570 = arith.constant 0 : i32
    %dma_wait3A_571 = arith.constant 6128 : i32
    %dma_wait3A_572 = tpu.memref_slice %arg2[%dma_wait3A_570, %dma_wait3A_571, %mul3A_2] : memref<3x6890x4096xf32, #tpu.memory_space<hbm>> -> memref<3x8x128xf32, #tpu.memory_space<hbm>>
    tpu.wait_dma2 semaphore(%arg7 : memref<!tpu.dma_semaphore, #tpu.memory_space<semaphore_mem>>) src(%dma_wait3A_572 : memref<3x8x128xf32, #tpu.memory_space<hbm>>) dst(%dma_wait3A_569 : memref<3x8x128xf32, #tpu.memory_space<vmem>>)
    %scan3A = arith.constant 0 : i32
    %scan3A_573 = arith.constant 0 : i32
    %scan3A_574 = arith.constant 8 : i32
    %scan3A_575 = arith.addi %scan3A_573, %scan3A_574 : i32
    %scan3A_576 = arith.constant 1 : i32
    scf.for %scan3A_578 = %scan3A_573 to %scan3A_575 step %scan3A_576  : i32 {
      %mul3A_579 = arith.constant 16 : i32
      %mul3A_580 = arith.muli %scan3A_578, %mul3A_579 : i32
      %multiple_of3A = tpu.assume_multiple %mul3A_580, 16 : i32
      %get3A = arith.constant 0 : i32
      %get3A_581 = arith.constant 0 : i32
      %get3A_582 = arith.constant 0 : i32
      %get3A_583 = arith.index_cast %get3A : i32 to index
      %get3A_584 = arith.index_cast %get3A_581 : i32 to index
      %get3A_585 = arith.index_cast %get3A_582 : i32 to index
      %get3A_586 = arith.index_cast %multiple_of3A : i32 to index
      %get3A_587 = tpu.vector_load %arg5[%get3A_583, %get3A_584, %get3A_585, %get3A_586] {strides = array<i32>} : memref<16x3x8x128xf32, #tpu.memory_space<vmem>>, vector<1x1x1x16xf32>,
      %get3A_588 = vector.shape_cast %get3A_587 : vector<1x1x1x16xf32> to vector<16xf32>
      %swap3A = arith.constant 0 : i32
      %swap3A_589 = arith.constant 52 : i32
      %swap3A_590 = arith.index_cast %swap3A : i32 to index
      %swap3A_591 = arith.index_cast %swap3A_589 : i32 to index
      %swap3A_592 = arith.index_cast %multiple_of3A : i32 to index
      %swap3A_593 = tpu.vector_load %arg6[%swap3A_590, %swap3A_591, %swap3A_592] {strides = array<i32>} : memref<3x68x128xf32, #tpu.memory_space<vmem>>, vector<1x1x16xf32>,
      %swap3A_594 = vector.shape_cast %swap3A_593 : vector<1x1x16xf32> to vector<16xf32>
      %swap3A_595 = vector.shape_cast %get3A_588 : vector<16xf32> to vector<1x1x16xf32>
      tpu.vector_store %arg6[%swap3A_590, %swap3A_591, %swap3A_592], %swap3A_595 {strides = array<i32>} : memref<3x68x128xf32, #tpu.memory_space<vmem>>, vector<1x1x16xf32>,
      %get3A_596 = arith.constant 0 : i32
      %get3A_597 = arith.constant 1 : i32
      %get3A_598 = arith.constant 0 : i32
      %get3A_599 = arith.index_cast %get3A_596 : i32 to index
      %get3A_600 = arith.index_cast %get3A_597 : i32 to index
      %get3A_601 = arith.index_cast %get3A_598 : i32 to index
      %get3A_602 = arith.index_cast %multiple_of3A : i32 to index
      %get3A_603 = tpu.vector_load %arg5[%get3A_599, %get3A_600, %get3A_601, %get3A_602] {strides = array<i32>} : memref<16x3x8x128xf32, #tpu.memory_space<vmem>>, vector<1x1x1x16xf32>,
      %get3A_604 = vector.shape_cast %get3A_603 : vector<1x1x1x16xf32> to vector<16xf32>
      %swap3A_605 = arith.constant 1 : i32
      %swap3A_606 = arith.constant 52 : i32
      %swap3A_607 = arith.index_cast %swap3A_605 : i32 to index
      %swap3A_608 = arith.index_cast %swap3A_606 : i32 to index
      %swap3A_609 = arith.index_cast %multiple_of3A : i32 to index
      %swap3A_610 = tpu.vector_load %arg6[%swap3A_607, %swap3A_608, %swap3A_609] {strides = array<i32>} : memref<3x68x128xf32, #tpu.memory_space<vmem>>, vector<1x1x16xf32>,
      %swap3A_611 = vector.shape_cast %swap3A_610 : vector<1x1x16xf32> to vector<16xf32>
      %swap3A_612 = vector.shape_cast %get3A_604 : vector<16xf32> to vector<1x1x16xf32>
      tpu.vector_store %arg6[%swap3A_607, %swap3A_608, %swap3A_609], %swap3A_612 {strides = array<i32>} : memref<3x68x128xf32, #tpu.memory_space<vmem>>, vector<1x1x16xf32>,
      %get3A_613 = arith.constant 0 : i32
      %get3A_614 = arith.constant 2 : i32
      %get3A_615 = arith.constant 0 : i32
      %get3A_616 = arith.index_cast %get3A_613 : i32 to index
      %get3A_617 = arith.index_cast %get3A_614 : i32 to index
      %get3A_618 = arith.index_cast %get3A_615 : i32 to index
      %get3A_619 = arith.index_cast %multiple_of3A : i32 to index
      %get3A_620 = tpu.vector_load %arg5[%get3A_616, %get3A_617, %get3A_618, %get3A_619] {strides = array<i32>} : memref<16x3x8x128xf32, #tpu.memory_space<vmem>>, vector<1x1x1x16xf32>,
      %get3A_621 = vector.shape_cast %get3A_620 : vector<1x1x1x16xf32> to vector<16xf32>
      %swap3A_622 = arith.constant 2 : i32
      %swap3A_623 = arith.constant 52 : i32
      %swap3A_624 = arith.index_cast %swap3A_622 : i32 to index
      %swap3A_625 = arith.index_cast %swap3A_623 : i32 to index
      %swap3A_626 = arith.index_cast %multiple_of3A : i32 to index
      %swap3A_627 = tpu.vector_load %arg6[%swap3A_624, %swap3A_625, %swap3A_626] {strides = array<i32>} : memref<3x68x128xf32, #tpu.memory_space<vmem>>, vector<1x1x16xf32>,
      %swap3A_628 = vector.shape_cast %swap3A_627 : vector<1x1x16xf32> to vector<16xf32>
      %swap3A_629 = vector.shape_cast %get3A_621 : vector<16xf32> to vector<1x1x16xf32>
      tpu.vector_store %arg6[%swap3A_624, %swap3A_625, %swap3A_626], %swap3A_629 {strides = array<i32>} : memref<3x68x128xf32, #tpu.memory_space<vmem>>, vector<1x1x16xf32>,
      %get3A_630 = arith.constant 1 : i32
      %get3A_631 = arith.constant 0 : i32
      %get3A_632 = arith.constant 2 : i32
      %get3A_633 = arith.index_cast %get3A_630 : i32 to index
      %get3A_634 = arith.index_cast %get3A_631 : i32 to index
      %get3A_635 = arith.index_cast %get3A_632 : i32 to index
      %get3A_636 = arith.index_cast %multiple_of3A : i32 to index
      %get3A_637 = tpu.vector_load %arg5[%get3A_633, %get3A_634, %get3A_635, %get3A_636] {strides = array<i32>} : memref<16x3x8x128xf32, #tpu.memory_space<vmem>>, vector<1x1x1x16xf32>,
      %get3A_638 = vector.shape_cast %get3A_637 : vector<1x1x1x16xf32> to vector<16xf32>
      %swap3A_639 = arith.constant 0 : i32
      %swap3A_640 = arith.constant 53 : i32
      %swap3A_641 = arith.index_cast %swap3A_639 : i32 to index
      %swap3A_642 = arith.index_cast %swap3A_640 : i32 to index
      %swap3A_643 = arith.index_cast %multiple_of3A : i32 to index
      %swap3A_644 = tpu.vector_load %arg6[%swap3A_641, %swap3A_642, %swap3A_643] {strides = array<i32>} : memref<3x68x128xf32, #tpu.memory_space<vmem>>, vector<1x1x16xf32>,
      %swap3A_645 = vector.shape_cast %swap3A_644 : vector<1x1x16xf32> to vector<16xf32>
      %swap3A_646 = vector.shape_cast %get3A_638 : vector<16xf32> to vector<1x1x16xf32>
      tpu.vector_store %arg6[%swap3A_641, %swap3A_642, %swap3A_643], %swap3A_646 {strides = array<i32>} : memref<3x68x128xf32, #tpu.memory_space<vmem>>, vector<1x1x16xf32>,
      %get3A_647 = arith.constant 1 : i32
      %get3A_648 = arith.constant 1 : i32
      %get3A_649 = arith.constant 2 : i32
      %get3A_650 = arith.index_cast %get3A_647 : i32 to index
      %get3A_651 = arith.index_cast %get3A_648 : i32 to index
      %get3A_652 = arith.index_cast %get3A_649 : i32 to index
      %get3A_653 = arith.index_cast %multiple_of3A : i32 to index
      %get3A_654 = tpu.vector_load %arg5[%get3A_650, %get3A_651, %get3A_652, %get3A_653] {strides = array<i32>} : memref<16x3x8x128xf32, #tpu.memory_space<vmem>>, vector<1x1x1x16xf32>,
      %get3A_655 = vector.shape_cast %get3A_654 : vector<1x1x1x16xf32> to vector<16xf32>
      %swap3A_656 = arith.constant 1 : i32
      %swap3A_657 = arith.constant 53 : i32
      %swap3A_658 = arith.index_cast %swap3A_656 : i32 to index
      %swap3A_659 = arith.index_cast %swap3A_657 : i32 to index
      %swap3A_660 = arith.index_cast %multiple_of3A : i32 to index
      %swap3A_661 = tpu.vector_load %arg6[%swap3A_658, %swap3A_659, %swap3A_660] {strides = array<i32>} : memref<3x68x128xf32, #tpu.memory_space<vmem>>, vector<1x1x16xf32>,
      %swap3A_662 = vector.shape_cast %swap3A_661 : vector<1x1x16xf32> to vector<16xf32>
      %swap3A_663 = vector.shape_cast %get3A_655 : vector<16xf32> to vector<1x1x16xf32>
      tpu.vector_store %arg6[%swap3A_658, %swap3A_659, %swap3A_660], %swap3A_663 {strides = array<i32>} : memref<3x68x128xf32, #tpu.memory_space<vmem>>, vector<1x1x16xf32>,
      %get3A_664 = arith.constant 1 : i32
      %get3A_665 = arith.constant 2 : i32
      %get3A_666 = arith.constant 2 : i32
      %get3A_667 = arith.index_cast %get3A_664 : i32 to index
      %get3A_668 = arith.index_cast %get3A_665 : i32 to index
      %get3A_669 = arith.index_cast %get3A_666 : i32 to index
      %get3A_670 = arith.index_cast %multiple_of3A : i32 to index
      %get3A_671 = tpu.vector_load %arg5[%get3A_667, %get3A_668, %get3A_669, %get3A_670] {strides = array<i32>} : memref<16x3x8x128xf32, #tpu.memory_space<vmem>>, vector<1x1x1x16xf32>,
      %get3A_672 = vector.shape_cast %get3A_671 : vector<1x1x1x16xf32> to vector<16xf32>
      %swap3A_673 = arith.constant 2 : i32
      %swap3A_674 = arith.constant 53 : i32
      %swap3A_675 = arith.index_cast %swap3A_673 : i32 to index
      %swap3A_676 = arith.index_cast %swap3A_674 : i32 to index
      %swap3A_677 = arith.index_cast %multiple_of3A : i32 to index
      %swap3A_678 = tpu.vector_load %arg6[%swap3A_675, %swap3A_676, %swap3A_677] {strides = array<i32>} : memref<3x68x128xf32, #tpu.memory_space<vmem>>, vector<1x1x16xf32>,
      %swap3A_679 = vector.shape_cast %swap3A_678 : vector<1x1x16xf32> to vector<16xf32>
      %swap3A_680 = vector.shape_cast %get3A_672 : vector<16xf32> to vector<1x1x16xf32>
      tpu.vector_store %arg6[%swap3A_675, %swap3A_676, %swap3A_677], %swap3A_680 {strides = array<i32>} : memref<3x68x128xf32, #tpu.memory_space<vmem>>, vector<1x1x16xf32>,
      %get3A_681 = arith.constant 2 : i32
      %get3A_682 = arith.constant 0 : i32
      %get3A_683 = arith.constant 3 : i32
      %get3A_684 = arith.index_cast %get3A_681 : i32 to index
      %get3A_685 = arith.index_cast %get3A_682 : i32 to index
      %get3A_686 = arith.index_cast %get3A_683 : i32 to index
      %get3A_687 = arith.index_cast %multiple_of3A : i32 to index
      %get3A_688 = tpu.vector_load %arg5[%get3A_684, %get3A_685, %get3A_686, %get3A_687] {strides = array<i32>} : memref<16x3x8x128xf32, #tpu.memory_space<vmem>>, vector<1x1x1x16xf32>,
      %get3A_689 = vector.shape_cast %get3A_688 : vector<1x1x1x16xf32> to vector<16xf32>
      %swap3A_690 = arith.constant 0 : i32
      %swap3A_691 = arith.constant 54 : i32
      %swap3A_692 = arith.index_cast %swap3A_690 : i32 to index
      %swap3A_693 = arith.index_cast %swap3A_691 : i32 to index
      %swap3A_694 = arith.index_cast %multiple_of3A : i32 to index
      %swap3A_695 = tpu.vector_load %arg6[%swap3A_692, %swap3A_693, %swap3A_694] {strides = array<i32>} : memref<3x68x128xf32, #tpu.memory_space<vmem>>, vector<1x1x16xf32>,
      %swap3A_696 = vector.shape_cast %swap3A_695 : vector<1x1x16xf32> to vector<16xf32>
      %swap3A_697 = vector.shape_cast %get3A_689 : vector<16xf32> to vector<1x1x16xf32>
      tpu.vector_store %arg6[%swap3A_692, %swap3A_693, %swap3A_694], %swap3A_697 {strides = array<i32>} : memref<3x68x128xf32, #tpu.memory_space<vmem>>, vector<1x1x16xf32>,
      %get3A_698 = arith.constant 2 : i32
      %get3A_699 = arith.constant 1 : i32
      %get3A_700 = arith.constant 3 : i32
      %get3A_701 = arith.index_cast %get3A_698 : i32 to index
      %get3A_702 = arith.index_cast %get3A_699 : i32 to index
      %get3A_703 = arith.index_cast %get3A_700 : i32 to index
      %get3A_704 = arith.index_cast %multiple_of3A : i32 to index
      %get3A_705 = tpu.vector_load %arg5[%get3A_701, %get3A_702, %get3A_703, %get3A_704] {strides = array<i32>} : memref<16x3x8x128xf32, #tpu.memory_space<vmem>>, vector<1x1x1x16xf32>,
      %get3A_706 = vector.shape_cast %get3A_705 : vector<1x1x1x16xf32> to vector<16xf32>
      %swap3A_707 = arith.constant 1 : i32
      %swap3A_708 = arith.constant 54 : i32
      %swap3A_709 = arith.index_cast %swap3A_707 : i32 to index
      %swap3A_710 = arith.index_cast %swap3A_708 : i32 to index
      %swap3A_711 = arith.index_cast %multiple_of3A : i32 to index
      %swap3A_712 = tpu.vector_load %arg6[%swap3A_709, %swap3A_710, %swap3A_711] {strides = array<i32>} : memref<3x68x128xf32, #tpu.memory_space<vmem>>, vector<1x1x16xf32>,
      %swap3A_713 = vector.shape_cast %swap3A_712 : vector<1x1x16xf32> to vector<16xf32>
      %swap3A_714 = vector.shape_cast %get3A_706 : vector<16xf32> to vector<1x1x16xf32>
      tpu.vector_store %arg6[%swap3A_709, %swap3A_710, %swap3A_711], %swap3A_714 {strides = array<i32>} : memref<3x68x128xf32, #tpu.memory_space<vmem>>, vector<1x1x16xf32>,
      %get3A_715 = arith.constant 2 : i32
      %get3A_716 = arith.constant 2 : i32
      %get3A_717 = arith.constant 3 : i32
      %get3A_718 = arith.index_cast %get3A_715 : i32 to index
      %get3A_719 = arith.index_cast %get3A_716 : i32 to index
      %get3A_720 = arith.index_cast %get3A_717 : i32 to index
      %get3A_721 = arith.index_cast %multiple_of3A : i32 to index
      %get3A_722 = tpu.vector_load %arg5[%get3A_718, %get3A_719, %get3A_720, %get3A_721] {strides = array<i32>} : memref<16x3x8x128xf32, #tpu.memory_space<vmem>>, vector<1x1x1x16xf32>,
      %get3A_723 = vector.shape_cast %get3A_722 : vector<1x1x1x16xf32> to vector<16xf32>
      %swap3A_724 = arith.constant 2 : i32
      %swap3A_725 = arith.constant 54 : i32
      %swap3A_726 = arith.index_cast %swap3A_724 : i32 to index
      %swap3A_727 = arith.index_cast %swap3A_725 : i32 to index
      %swap3A_728 = arith.index_cast %multiple_of3A : i32 to index
      %swap3A_729 = tpu.vector_load %arg6[%swap3A_726, %swap3A_727, %swap3A_728] {strides = array<i32>} : memref<3x68x128xf32, #tpu.memory_space<vmem>>, vector<1x1x16xf32>,
      %swap3A_730 = vector.shape_cast %swap3A_729 : vector<1x1x16xf32> to vector<16xf32>
      %swap3A_731 = vector.shape_cast %get3A_723 : vector<16xf32> to vector<1x1x16xf32>
      tpu.vector_store %arg6[%swap3A_726, %swap3A_727, %swap3A_728], %swap3A_731 {strides = array<i32>} : memref<3x68x128xf32, #tpu.memory_space<vmem>>, vector<1x1x16xf32>,
      %get3A_732 = arith.constant 3 : i32
      %get3A_733 = arith.constant 0 : i32
      %get3A_734 = arith.constant 1 : i32
      %get3A_735 = arith.index_cast %get3A_732 : i32 to index
      %get3A_736 = arith.index_cast %get3A_733 : i32 to index
      %get3A_737 = arith.index_cast %get3A_734 : i32 to index
      %get3A_738 = arith.index_cast %multiple_of3A : i32 to index
      %get3A_739 = tpu.vector_load %arg5[%get3A_735, %get3A_736, %get3A_737, %get3A_738] {strides = array<i32>} : memref<16x3x8x128xf32, #tpu.memory_space<vmem>>, vector<1x1x1x16xf32>,
      %get3A_740 = vector.shape_cast %get3A_739 : vector<1x1x1x16xf32> to vector<16xf32>
      %swap3A_741 = arith.constant 0 : i32
      %swap3A_742 = arith.constant 55 : i32
      %swap3A_743 = arith.index_cast %swap3A_741 : i32 to index
      %swap3A_744 = arith.index_cast %swap3A_742 : i32 to index
      %swap3A_745 = arith.index_cast %multiple_of3A : i32 to index
      %swap3A_746 = tpu.vector_load %arg6[%swap3A_743, %swap3A_744, %swap3A_745] {strides = array<i32>} : memref<3x68x128xf32, #tpu.memory_space<vmem>>, vector<1x1x16xf32>,
      %swap3A_747 = vector.shape_cast %swap3A_746 : vector<1x1x16xf32> to vector<16xf32>
      %swap3A_748 = vector.shape_cast %get3A_740 : vector<16xf32> to vector<1x1x16xf32>
      tpu.vector_store %arg6[%swap3A_743, %swap3A_744, %swap3A_745], %swap3A_748 {strides = array<i32>} : memref<3x68x128xf32, #tpu.memory_space<vmem>>, vector<1x1x16xf32>,
      %get3A_749 = arith.constant 3 : i32
      %get3A_750 = arith.constant 1 : i32
      %get3A_751 = arith.constant 1 : i32
      %get3A_752 = arith.index_cast %get3A_749 : i32 to index
      %get3A_753 = arith.index_cast %get3A_750 : i32 to index
      %get3A_754 = arith.index_cast %get3A_751 : i32 to index
      %get3A_755 = arith.index_cast %multiple_of3A : i32 to index
      %get3A_756 = tpu.vector_load %arg5[%get3A_752, %get3A_753, %get3A_754, %get3A_755] {strides = array<i32>} : memref<16x3x8x128xf32, #tpu.memory_space<vmem>>, vector<1x1x1x16xf32>,
      %get3A_757 = vector.shape_cast %get3A_756 : vector<1x1x1x16xf32> to vector<16xf32>
      %swap3A_758 = arith.constant 1 : i32
      %swap3A_759 = arith.constant 55 : i32
      %swap3A_760 = arith.index_cast %swap3A_758 : i32 to index
      %swap3A_761 = arith.index_cast %swap3A_759 : i32 to index
      %swap3A_762 = arith.index_cast %multiple_of3A : i32 to index
      %swap3A_763 = tpu.vector_load %arg6[%swap3A_760, %swap3A_761, %swap3A_762] {strides = array<i32>} : memref<3x68x128xf32, #tpu.memory_space<vmem>>, vector<1x1x16xf32>,
      %swap3A_764 = vector.shape_cast %swap3A_763 : vector<1x1x16xf32> to vector<16xf32>
      %swap3A_765 = vector.shape_cast %get3A_757 : vector<16xf32> to vector<1x1x16xf32>
      tpu.vector_store %arg6[%swap3A_760, %swap3A_761, %swap3A_762], %swap3A_765 {strides = array<i32>} : memref<3x68x128xf32, #tpu.memory_space<vmem>>, vector<1x1x16xf32>,
      %get3A_766 = arith.constant 3 : i32
      %get3A_767 = arith.constant 2 : i32
      %get3A_768 = arith.constant 1 : i32
      %get3A_769 = arith.index_cast %get3A_766 : i32 to index
      %get3A_770 = arith.index_cast %get3A_767 : i32 to index
      %get3A_771 = arith.index_cast %get3A_768 : i32 to index
      %get3A_772 = arith.index_cast %multiple_of3A : i32 to index
      %get3A_773 = tpu.vector_load %arg5[%get3A_769, %get3A_770, %get3A_771, %get3A_772] {strides = array<i32>} : memref<16x3x8x128xf32, #tpu.memory_space<vmem>>, vector<1x1x1x16xf32>,
      %get3A_774 = vector.shape_cast %get3A_773 : vector<1x1x1x16xf32> to vector<16xf32>
      %swap3A_775 = arith.constant 2 : i32
      %swap3A_776 = arith.constant 55 : i32
      %swap3A_777 = arith.index_cast %swap3A_775 : i32 to index
      %swap3A_778 = arith.index_cast %swap3A_776 : i32 to index
      %swap3A_779 = arith.index_cast %multiple_of3A : i32 to index
      %swap3A_780 = tpu.vector_load %arg6[%swap3A_777, %swap3A_778, %swap3A_779] {strides = array<i32>} : memref<3x68x128xf32, #tpu.memory_space<vmem>>, vector<1x1x16xf32>,
      %swap3A_781 = vector.shape_cast %swap3A_780 : vector<1x1x16xf32> to vector<16xf32>
      %swap3A_782 = vector.shape_cast %get3A_774 : vector<16xf32> to vector<1x1x16xf32>
      tpu.vector_store %arg6[%swap3A_777, %swap3A_778, %swap3A_779], %swap3A_782 {strides = array<i32>} : memref<3x68x128xf32, #tpu.memory_space<vmem>>, vector<1x1x16xf32>,
      %get3A_783 = arith.constant 4 : i32
      %get3A_784 = arith.constant 0 : i32
      %get3A_785 = arith.constant 0 : i32
      %get3A_786 = arith.index_cast %get3A_783 : i32 to index
      %get3A_787 = arith.index_cast %get3A_784 : i32 to index
      %get3A_788 = arith.index_cast %get3A_785 : i32 to index
      %get3A_789 = arith.index_cast %multiple_of3A : i32 to index
      %get3A_790 = tpu.vector_load %arg5[%get3A_786, %get3A_787, %get3A_788, %get3A_789] {strides = array<i32>} : memref<16x3x8x128xf32, #tpu.memory_space<vmem>>, vector<1x1x1x16xf32>,
      %get3A_791 = vector.shape_cast %get3A_790 : vector<1x1x1x16xf32> to vector<16xf32>
      %swap3A_792 = arith.constant 0 : i32
      %swap3A_793 = arith.constant 56 : i32
      %swap3A_794 = arith.index_cast %swap3A_792 : i32 to index
      %swap3A_795 = arith.index_cast %swap3A_793 : i32 to index
      %swap3A_796 = arith.index_cast %multiple_of3A : i32 to index
      %swap3A_797 = tpu.vector_load %arg6[%swap3A_794, %swap3A_795, %swap3A_796] {strides = array<i32>} : memref<3x68x128xf32, #tpu.memory_space<vmem>>, vector<1x1x16xf32>,
      %swap3A_798 = vector.shape_cast %swap3A_797 : vector<1x1x16xf32> to vector<16xf32>
      %swap3A_799 = vector.shape_cast %get3A_791 : vector<16xf32> to vector<1x1x16xf32>
      tpu.vector_store %arg6[%swap3A_794, %swap3A_795, %swap3A_796], %swap3A_799 {strides = array<i32>} : memref<3x68x128xf32, #tpu.memory_space<vmem>>, vector<1x1x16xf32>,
      %get3A_800 = arith.constant 4 : i32
      %get3A_801 = arith.constant 1 : i32
      %get3A_802 = arith.constant 0 : i32
      %get3A_803 = arith.index_cast %get3A_800 : i32 to index
      %get3A_804 = arith.index_cast %get3A_801 : i32 to index
      %get3A_805 = arith.index_cast %get3A_802 : i32 to index
      %get3A_806 = arith.index_cast %multiple_of3A : i32 to index
      %get3A_807 = tpu.vector_load %arg5[%get3A_803, %get3A_804, %get3A_805, %get3A_806] {strides = array<i32>} : memref<16x3x8x128xf32, #tpu.memory_space<vmem>>, vector<1x1x1x16xf32>,
      %get3A_808 = vector.shape_cast %get3A_807 : vector<1x1x1x16xf32> to vector<16xf32>
      %swap3A_809 = arith.constant 1 : i32
      %swap3A_810 = arith.constant 56 : i32
      %swap3A_811 = arith.index_cast %swap3A_809 : i32 to index
      %swap3A_812 = arith.index_cast %swap3A_810 : i32 to index
      %swap3A_813 = arith.index_cast %multiple_of3A : i32 to index
      %swap3A_814 = tpu.vector_load %arg6[%swap3A_811, %swap3A_812, %swap3A_813] {strides = array<i32>} : memref<3x68x128xf32, #tpu.memory_space<vmem>>, vector<1x1x16xf32>,
      %swap3A_815 = vector.shape_cast %swap3A_814 : vector<1x1x16xf32> to vector<16xf32>
      %swap3A_816 = vector.shape_cast %get3A_808 : vector<16xf32> to vector<1x1x16xf32>
      tpu.vector_store %arg6[%swap3A_811, %swap3A_812, %swap3A_813], %swap3A_816 {strides = array<i32>} : memref<3x68x128xf32, #tpu.memory_space<vmem>>, vector<1x1x16xf32>,
      %get3A_817 = arith.constant 4 : i32
      %get3A_818 = arith.constant 2 : i32
      %get3A_819 = arith.constant 0 : i32
      %get3A_820 = arith.index_cast %get3A_817 : i32 to index
      %get3A_821 = arith.index_cast %get3A_818 : i32 to index
      %get3A_822 = arith.index_cast %get3A_819 : i32 to index
      %get3A_823 = arith.index_cast %multiple_of3A : i32 to index
      %get3A_824 = tpu.vector_load %arg5[%get3A_820, %get3A_821, %get3A_822, %get3A_823] {strides = array<i32>} : memref<16x3x8x128xf32, #tpu.memory_space<vmem>>, vector<1x1x1x16xf32>,
      %get3A_825 = vector.shape_cast %get3A_824 : vector<1x1x1x16xf32> to vector<16xf32>
      %swap3A_826 = arith.constant 2 : i32
      %swap3A_827 = arith.constant 56 : i32
      %swap3A_828 = arith.index_cast %swap3A_826 : i32 to index
      %swap3A_829 = arith.index_cast %swap3A_827 : i32 to index
      %swap3A_830 = arith.index_cast %multiple_of3A : i32 to index
      %swap3A_831 = tpu.vector_load %arg6[%swap3A_828, %swap3A_829, %swap3A_830] {strides = array<i32>} : memref<3x68x128xf32, #tpu.memory_space<vmem>>, vector<1x1x16xf32>,
      %swap3A_832 = vector.shape_cast %swap3A_831 : vector<1x1x16xf32> to vector<16xf32>
      %swap3A_833 = vector.shape_cast %get3A_825 : vector<16xf32> to vector<1x1x16xf32>
      tpu.vector_store %arg6[%swap3A_828, %swap3A_829, %swap3A_830], %swap3A_833 {strides = array<i32>} : memref<3x68x128xf32, #tpu.memory_space<vmem>>, vector<1x1x16xf32>,
      %get3A_834 = arith.constant 5 : i32
      %get3A_835 = arith.constant 0 : i32
      %get3A_836 = arith.constant 3 : i32
      %get3A_837 = arith.index_cast %get3A_834 : i32 to index
      %get3A_838 = arith.index_cast %get3A_835 : i32 to index
      %get3A_839 = arith.index_cast %get3A_836 : i32 to index
      %get3A_840 = arith.index_cast %multiple_of3A : i32 to index
      %get3A_841 = tpu.vector_load %arg5[%get3A_837, %get3A_838, %get3A_839, %get3A_840] {strides = array<i32>} : memref<16x3x8x128xf32, #tpu.memory_space<vmem>>, vector<1x1x1x16xf32>,
      %get3A_842 = vector.shape_cast %get3A_841 : vector<1x1x1x16xf32> to vector<16xf32>
      %swap3A_843 = arith.constant 0 : i32
      %swap3A_844 = arith.constant 57 : i32
      %swap3A_845 = arith.index_cast %swap3A_843 : i32 to index
      %swap3A_846 = arith.index_cast %swap3A_844 : i32 to index
      %swap3A_847 = arith.index_cast %multiple_of3A : i32 to index
      %swap3A_848 = tpu.vector_load %arg6[%swap3A_845, %swap3A_846, %swap3A_847] {strides = array<i32>} : memref<3x68x128xf32, #tpu.memory_space<vmem>>, vector<1x1x16xf32>,
      %swap3A_849 = vector.shape_cast %swap3A_848 : vector<1x1x16xf32> to vector<16xf32>
      %swap3A_850 = vector.shape_cast %get3A_842 : vector<16xf32> to vector<1x1x16xf32>
      tpu.vector_store %arg6[%swap3A_845, %swap3A_846, %swap3A_847], %swap3A_850 {strides = array<i32>} : memref<3x68x128xf32, #tpu.memory_space<vmem>>, vector<1x1x16xf32>,
      %get3A_851 = arith.constant 5 : i32
      %get3A_852 = arith.constant 1 : i32
      %get3A_853 = arith.constant 3 : i32
      %get3A_854 = arith.index_cast %get3A_851 : i32 to index
      %get3A_855 = arith.index_cast %get3A_852 : i32 to index
      %get3A_856 = arith.index_cast %get3A_853 : i32 to index
      %get3A_857 = arith.index_cast %multiple_of3A : i32 to index
      %get3A_858 = tpu.vector_load %arg5[%get3A_854, %get3A_855, %get3A_856, %get3A_857] {strides = array<i32>} : memref<16x3x8x128xf32, #tpu.memory_space<vmem>>, vector<1x1x1x16xf32>,
      %get3A_859 = vector.shape_cast %get3A_858 : vector<1x1x1x16xf32> to vector<16xf32>
      %swap3A_860 = arith.constant 1 : i32
      %swap3A_861 = arith.constant 57 : i32
      %swap3A_862 = arith.index_cast %swap3A_860 : i32 to index
      %swap3A_863 = arith.index_cast %swap3A_861 : i32 to index
      %swap3A_864 = arith.index_cast %multiple_of3A : i32 to index
      %swap3A_865 = tpu.vector_load %arg6[%swap3A_862, %swap3A_863, %swap3A_864] {strides = array<i32>} : memref<3x68x128xf32, #tpu.memory_space<vmem>>, vector<1x1x16xf32>,
      %swap3A_866 = vector.shape_cast %swap3A_865 : vector<1x1x16xf32> to vector<16xf32>
      %swap3A_867 = vector.shape_cast %get3A_859 : vector<16xf32> to vector<1x1x16xf32>
      tpu.vector_store %arg6[%swap3A_862, %swap3A_863, %swap3A_864], %swap3A_867 {strides = array<i32>} : memref<3x68x128xf32, #tpu.memory_space<vmem>>, vector<1x1x16xf32>,
      %get3A_868 = arith.constant 5 : i32
      %get3A_869 = arith.constant 2 : i32
      %get3A_870 = arith.constant 3 : i32
      %get3A_871 = arith.index_cast %get3A_868 : i32 to index
      %get3A_872 = arith.index_cast %get3A_869 : i32 to index
      %get3A_873 = arith.index_cast %get3A_870 : i32 to index
      %get3A_874 = arith.index_cast %multiple_of3A : i32 to index
      %get3A_875 = tpu.vector_load %arg5[%get3A_871, %get3A_872, %get3A_873, %get3A_874] {strides = array<i32>} : memref<16x3x8x128xf32, #tpu.memory_space<vmem>>, vector<1x1x1x16xf32>,
      %get3A_876 = vector.shape_cast %get3A_875 : vector<1x1x1x16xf32> to vector<16xf32>
      %swap3A_877 = arith.constant 2 : i32
      %swap3A_878 = arith.constant 57 : i32
      %swap3A_879 = arith.index_cast %swap3A_877 : i32 to index
      %swap3A_880 = arith.index_cast %swap3A_878 : i32 to index
      %swap3A_881 = arith.index_cast %multiple_of3A : i32 to index
      %swap3A_882 = tpu.vector_load %arg6[%swap3A_879, %swap3A_880, %swap3A_881] {strides = array<i32>} : memref<3x68x128xf32, #tpu.memory_space<vmem>>, vector<1x1x16xf32>,
      %swap3A_883 = vector.shape_cast %swap3A_882 : vector<1x1x16xf32> to vector<16xf32>
      %swap3A_884 = vector.shape_cast %get3A_876 : vector<16xf32> to vector<1x1x16xf32>
      tpu.vector_store %arg6[%swap3A_879, %swap3A_880, %swap3A_881], %swap3A_884 {strides = array<i32>} : memref<3x68x128xf32, #tpu.memory_space<vmem>>, vector<1x1x16xf32>,
      %get3A_885 = arith.constant 6 : i32
      %get3A_886 = arith.constant 0 : i32
      %get3A_887 = arith.constant 2 : i32
      %get3A_888 = arith.index_cast %get3A_885 : i32 to index
      %get3A_889 = arith.index_cast %get3A_886 : i32 to index
      %get3A_890 = arith.index_cast %get3A_887 : i32 to index
      %get3A_891 = arith.index_cast %multiple_of3A : i32 to index
      %get3A_892 = tpu.vector_load %arg5[%get3A_888, %get3A_889, %get3A_890, %get3A_891] {strides = array<i32>} : memref<16x3x8x128xf32, #tpu.memory_space<vmem>>, vector<1x1x1x16xf32>,
      %get3A_893 = vector.shape_cast %get3A_892 : vector<1x1x1x16xf32> to vector<16xf32>
      %swap3A_894 = arith.constant 0 : i32
      %swap3A_895 = arith.constant 58 : i32
      %swap3A_896 = arith.index_cast %swap3A_894 : i32 to index
      %swap3A_897 = arith.index_cast %swap3A_895 : i32 to index
      %swap3A_898 = arith.index_cast %multiple_of3A : i32 to index
      %swap3A_899 = tpu.vector_load %arg6[%swap3A_896, %swap3A_897, %swap3A_898] {strides = array<i32>} : memref<3x68x128xf32, #tpu.memory_space<vmem>>, vector<1x1x16xf32>,
      %swap3A_900 = vector.shape_cast %swap3A_899 : vector<1x1x16xf32> to vector<16xf32>
      %swap3A_901 = vector.shape_cast %get3A_893 : vector<16xf32> to vector<1x1x16xf32>
      tpu.vector_store %arg6[%swap3A_896, %swap3A_897, %swap3A_898], %swap3A_901 {strides = array<i32>} : memref<3x68x128xf32, #tpu.memory_space<vmem>>, vector<1x1x16xf32>,
      %get3A_902 = arith.constant 6 : i32
      %get3A_903 = arith.constant 1 : i32
      %get3A_904 = arith.constant 2 : i32
      %get3A_905 = arith.index_cast %get3A_902 : i32 to index
      %get3A_906 = arith.index_cast %get3A_903 : i32 to index
      %get3A_907 = arith.index_cast %get3A_904 : i32 to index
      %get3A_908 = arith.index_cast %multiple_of3A : i32 to index
      %get3A_909 = tpu.vector_load %arg5[%get3A_905, %get3A_906, %get3A_907, %get3A_908] {strides = array<i32>} : memref<16x3x8x128xf32, #tpu.memory_space<vmem>>, vector<1x1x1x16xf32>,
      %get3A_910 = vector.shape_cast %get3A_909 : vector<1x1x1x16xf32> to vector<16xf32>
      %swap3A_911 = arith.constant 1 : i32
      %swap3A_912 = arith.constant 58 : i32
      %swap3A_913 = arith.index_cast %swap3A_911 : i32 to index
      %swap3A_914 = arith.index_cast %swap3A_912 : i32 to index
      %swap3A_915 = arith.index_cast %multiple_of3A : i32 to index
      %swap3A_916 = tpu.vector_load %arg6[%swap3A_913, %swap3A_914, %swap3A_915] {strides = array<i32>} : memref<3x68x128xf32, #tpu.memory_space<vmem>>, vector<1x1x16xf32>,
      %swap3A_917 = vector.shape_cast %swap3A_916 : vector<1x1x16xf32> to vector<16xf32>
      %swap3A_918 = vector.shape_cast %get3A_910 : vector<16xf32> to vector<1x1x16xf32>
      tpu.vector_store %arg6[%swap3A_913, %swap3A_914, %swap3A_915], %swap3A_918 {strides = array<i32>} : memref<3x68x128xf32, #tpu.memory_space<vmem>>, vector<1x1x16xf32>,
      %get3A_919 = arith.constant 6 : i32
      %get3A_920 = arith.constant 2 : i32
      %get3A_921 = arith.constant 2 : i32
      %get3A_922 = arith.index_cast %get3A_919 : i32 to index
      %get3A_923 = arith.index_cast %get3A_920 : i32 to index
      %get3A_924 = arith.index_cast %get3A_921 : i32 to index
      %get3A_925 = arith.index_cast %multiple_of3A : i32 to index
      %get3A_926 = tpu.vector_load %arg5[%get3A_922, %get3A_923, %get3A_924, %get3A_925] {strides = array<i32>} : memref<16x3x8x128xf32, #tpu.memory_space<vmem>>, vector<1x1x1x16xf32>,
      %get3A_927 = vector.shape_cast %get3A_926 : vector<1x1x1x16xf32> to vector<16xf32>
      %swap3A_928 = arith.constant 2 : i32
      %swap3A_929 = arith.constant 58 : i32
      %swap3A_930 = arith.index_cast %swap3A_928 : i32 to index
      %swap3A_931 = arith.index_cast %swap3A_929 : i32 to index
      %swap3A_932 = arith.index_cast %multiple_of3A : i32 to index
      %swap3A_933 = tpu.vector_load %arg6[%swap3A_930, %swap3A_931, %swap3A_932] {strides = array<i32>} : memref<3x68x128xf32, #tpu.memory_space<vmem>>, vector<1x1x16xf32>,
      %swap3A_934 = vector.shape_cast %swap3A_933 : vector<1x1x16xf32> to vector<16xf32>
      %swap3A_935 = vector.shape_cast %get3A_927 : vector<16xf32> to vector<1x1x16xf32>
      tpu.vector_store %arg6[%swap3A_930, %swap3A_931, %swap3A_932], %swap3A_935 {strides = array<i32>} : memref<3x68x128xf32, #tpu.memory_space<vmem>>, vector<1x1x16xf32>,
      %get3A_936 = arith.constant 7 : i32
      %get3A_937 = arith.constant 0 : i32
      %get3A_938 = arith.constant 7 : i32
      %get3A_939 = arith.index_cast %get3A_936 : i32 to index
      %get3A_940 = arith.index_cast %get3A_937 : i32 to index
      %get3A_941 = arith.index_cast %get3A_938 : i32 to index
      %get3A_942 = arith.index_cast %multiple_of3A : i32 to index
      %get3A_943 = tpu.vector_load %arg5[%get3A_939, %get3A_940, %get3A_941, %get3A_942] {strides = array<i32>} : memref<16x3x8x128xf32, #tpu.memory_space<vmem>>, vector<1x1x1x16xf32>,
      %get3A_944 = vector.shape_cast %get3A_943 : vector<1x1x1x16xf32> to vector<16xf32>
      %swap3A_945 = arith.constant 0 : i32
      %swap3A_946 = arith.constant 59 : i32
      %swap3A_947 = arith.index_cast %swap3A_945 : i32 to index
      %swap3A_948 = arith.index_cast %swap3A_946 : i32 to index
      %swap3A_949 = arith.index_cast %multiple_of3A : i32 to index
      %swap3A_950 = tpu.vector_load %arg6[%swap3A_947, %swap3A_948, %swap3A_949] {strides = array<i32>} : memref<3x68x128xf32, #tpu.memory_space<vmem>>, vector<1x1x16xf32>,
      %swap3A_951 = vector.shape_cast %swap3A_950 : vector<1x1x16xf32> to vector<16xf32>
      %swap3A_952 = vector.shape_cast %get3A_944 : vector<16xf32> to vector<1x1x16xf32>
      tpu.vector_store %arg6[%swap3A_947, %swap3A_948, %swap3A_949], %swap3A_952 {strides = array<i32>} : memref<3x68x128xf32, #tpu.memory_space<vmem>>, vector<1x1x16xf32>,
      %get3A_953 = arith.constant 7 : i32
      %get3A_954 = arith.constant 1 : i32
      %get3A_955 = arith.constant 7 : i32
      %get3A_956 = arith.index_cast %get3A_953 : i32 to index
      %get3A_957 = arith.index_cast %get3A_954 : i32 to index
      %get3A_958 = arith.index_cast %get3A_955 : i32 to index
      %get3A_959 = arith.index_cast %multiple_of3A : i32 to index
      %get3A_960 = tpu.vector_load %arg5[%get3A_956, %get3A_957, %get3A_958, %get3A_959] {strides = array<i32>} : memref<16x3x8x128xf32, #tpu.memory_space<vmem>>, vector<1x1x1x16xf32>,
      %get3A_961 = vector.shape_cast %get3A_960 : vector<1x1x1x16xf32> to vector<16xf32>
      %swap3A_962 = arith.constant 1 : i32
      %swap3A_963 = arith.constant 59 : i32
      %swap3A_964 = arith.index_cast %swap3A_962 : i32 to index
      %swap3A_965 = arith.index_cast %swap3A_963 : i32 to index
      %swap3A_966 = arith.index_cast %multiple_of3A : i32 to index
      %swap3A_967 = tpu.vector_load %arg6[%swap3A_964, %swap3A_965, %swap3A_966] {strides = array<i32>} : memref<3x68x128xf32, #tpu.memory_space<vmem>>, vector<1x1x16xf32>,
      %swap3A_968 = vector.shape_cast %swap3A_967 : vector<1x1x16xf32> to vector<16xf32>
      %swap3A_969 = vector.shape_cast %get3A_961 : vector<16xf32> to vector<1x1x16xf32>
      tpu.vector_store %arg6[%swap3A_964, %swap3A_965, %swap3A_966], %swap3A_969 {strides = array<i32>} : memref<3x68x128xf32, #tpu.memory_space<vmem>>, vector<1x1x16xf32>,
      %get3A_970 = arith.constant 7 : i32
      %get3A_971 = arith.constant 2 : i32
      %get3A_972 = arith.constant 7 : i32
      %get3A_973 = arith.index_cast %get3A_970 : i32 to index
      %get3A_974 = arith.index_cast %get3A_971 : i32 to index
      %get3A_975 = arith.index_cast %get3A_972 : i32 to index
      %get3A_976 = arith.index_cast %multiple_of3A : i32 to index
      %get3A_977 = tpu.vector_load %arg5[%get3A_973, %get3A_974, %get3A_975, %get3A_976] {strides = array<i32>} : memref<16x3x8x128xf32, #tpu.memory_space<vmem>>, vector<1x1x1x16xf32>,
      %get3A_978 = vector.shape_cast %get3A_977 : vector<1x1x1x16xf32> to vector<16xf32>
      %swap3A_979 = arith.constant 2 : i32
      %swap3A_980 = arith.constant 59 : i32
      %swap3A_981 = arith.index_cast %swap3A_979 : i32 to index
      %swap3A_982 = arith.index_cast %swap3A_980 : i32 to index
      %swap3A_983 = arith.index_cast %multiple_of3A : i32 to index
      %swap3A_984 = tpu.vector_load %arg6[%swap3A_981, %swap3A_982, %swap3A_983] {strides = array<i32>} : memref<3x68x128xf32, #tpu.memory_space<vmem>>, vector<1x1x16xf32>,
      %swap3A_985 = vector.shape_cast %swap3A_984 : vector<1x1x16xf32> to vector<16xf32>
      %swap3A_986 = vector.shape_cast %get3A_978 : vector<16xf32> to vector<1x1x16xf32>
      tpu.vector_store %arg6[%swap3A_981, %swap3A_982, %swap3A_983], %swap3A_986 {strides = array<i32>} : memref<3x68x128xf32, #tpu.memory_space<vmem>>, vector<1x1x16xf32>,
      %get3A_987 = arith.constant 8 : i32
      %get3A_988 = arith.constant 0 : i32
      %get3A_989 = arith.constant 5 : i32
      %get3A_990 = arith.index_cast %get3A_987 : i32 to index
      %get3A_991 = arith.index_cast %get3A_988 : i32 to index
      %get3A_992 = arith.index_cast %get3A_989 : i32 to index
      %get3A_993 = arith.index_cast %multiple_of3A : i32 to index
      %get3A_994 = tpu.vector_load %arg5[%get3A_990, %get3A_991, %get3A_992, %get3A_993] {strides = array<i32>} : memref<16x3x8x128xf32, #tpu.memory_space<vmem>>, vector<1x1x1x16xf32>,
      %get3A_995 = vector.shape_cast %get3A_994 : vector<1x1x1x16xf32> to vector<16xf32>
      %swap3A_996 = arith.constant 0 : i32
      %swap3A_997 = arith.constant 60 : i32
      %swap3A_998 = arith.index_cast %swap3A_996 : i32 to index
      %swap3A_999 = arith.index_cast %swap3A_997 : i32 to index
      %swap3A_1000 = arith.index_cast %multiple_of3A : i32 to index
      %swap3A_1001 = tpu.vector_load %arg6[%swap3A_998, %swap3A_999, %swap3A_1000] {strides = array<i32>} : memref<3x68x128xf32, #tpu.memory_space<vmem>>, vector<1x1x16xf32>,
      %swap3A_1002 = vector.shape_cast %swap3A_1001 : vector<1x1x16xf32> to vector<16xf32>
      %swap3A_1003 = vector.shape_cast %get3A_995 : vector<16xf32> to vector<1x1x16xf32>
      tpu.vector_store %arg6[%swap3A_998, %swap3A_999, %swap3A_1000], %swap3A_1003 {strides = array<i32>} : memref<3x68x128xf32, #tpu.memory_space<vmem>>, vector<1x1x16xf32>,
      %get3A_1004 = arith.constant 8 : i32
      %get3A_1005 = arith.constant 1 : i32
      %get3A_1006 = arith.constant 5 : i32
      %get3A_1007 = arith.index_cast %get3A_1004 : i32 to index
      %get3A_1008 = arith.index_cast %get3A_1005 : i32 to index
      %get3A_1009 = arith.index_cast %get3A_1006 : i32 to index
      %get3A_1010 = arith.index_cast %multiple_of3A : i32 to index
      %get3A_1011 = tpu.vector_load %arg5[%get3A_1007, %get3A_1008, %get3A_1009, %get3A_1010] {strides = array<i32>} : memref<16x3x8x128xf32, #tpu.memory_space<vmem>>, vector<1x1x1x16xf32>,
      %get3A_1012 = vector.shape_cast %get3A_1011 : vector<1x1x1x16xf32> to vector<16xf32>
      %swap3A_1013 = arith.constant 1 : i32
      %swap3A_1014 = arith.constant 60 : i32
      %swap3A_1015 = arith.index_cast %swap3A_1013 : i32 to index
      %swap3A_1016 = arith.index_cast %swap3A_1014 : i32 to index
      %swap3A_1017 = arith.index_cast %multiple_of3A : i32 to index
      %swap3A_1018 = tpu.vector_load %arg6[%swap3A_1015, %swap3A_1016, %swap3A_1017] {strides = array<i32>} : memref<3x68x128xf32, #tpu.memory_space<vmem>>, vector<1x1x16xf32>,
      %swap3A_1019 = vector.shape_cast %swap3A_1018 : vector<1x1x16xf32> to vector<16xf32>
      %swap3A_1020 = vector.shape_cast %get3A_1012 : vector<16xf32> to vector<1x1x16xf32>
      tpu.vector_store %arg6[%swap3A_1015, %swap3A_1016, %swap3A_1017], %swap3A_1020 {strides = array<i32>} : memref<3x68x128xf32, #tpu.memory_space<vmem>>, vector<1x1x16xf32>,
      %get3A_1021 = arith.constant 8 : i32
      %get3A_1022 = arith.constant 2 : i32
      %get3A_1023 = arith.constant 5 : i32
      %get3A_1024 = arith.index_cast %get3A_1021 : i32 to index
      %get3A_1025 = arith.index_cast %get3A_1022 : i32 to index
      %get3A_1026 = arith.index_cast %get3A_1023 : i32 to index
      %get3A_1027 = arith.index_cast %multiple_of3A : i32 to index
      %get3A_1028 = tpu.vector_load %arg5[%get3A_1024, %get3A_1025, %get3A_1026, %get3A_1027] {strides = array<i32>} : memref<16x3x8x128xf32, #tpu.memory_space<vmem>>, vector<1x1x1x16xf32>,
      %get3A_1029 = vector.shape_cast %get3A_1028 : vector<1x1x1x16xf32> to vector<16xf32>
      %swap3A_1030 = arith.constant 2 : i32
      %swap3A_1031 = arith.constant 60 : i32
      %swap3A_1032 = arith.index_cast %swap3A_1030 : i32 to index
      %swap3A_1033 = arith.index_cast %swap3A_1031 : i32 to index
      %swap3A_1034 = arith.index_cast %multiple_of3A : i32 to index
      %swap3A_1035 = tpu.vector_load %arg6[%swap3A_1032, %swap3A_1033, %swap3A_1034] {strides = array<i32>} : memref<3x68x128xf32, #tpu.memory_space<vmem>>, vector<1x1x16xf32>,
      %swap3A_1036 = vector.shape_cast %swap3A_1035 : vector<1x1x16xf32> to vector<16xf32>
      %swap3A_1037 = vector.shape_cast %get3A_1029 : vector<16xf32> to vector<1x1x16xf32>
      tpu.vector_store %arg6[%swap3A_1032, %swap3A_1033, %swap3A_1034], %swap3A_1037 {strides = array<i32>} : memref<3x68x128xf32, #tpu.memory_space<vmem>>, vector<1x1x16xf32>,
      %get3A_1038 = arith.constant 9 : i32
      %get3A_1039 = arith.constant 0 : i32
      %get3A_1040 = arith.constant 4 : i32
      %get3A_1041 = arith.index_cast %get3A_1038 : i32 to index
      %get3A_1042 = arith.index_cast %get3A_1039 : i32 to index
      %get3A_1043 = arith.index_cast %get3A_1040 : i32 to index
      %get3A_1044 = arith.index_cast %multiple_of3A : i32 to index
      %get3A_1045 = tpu.vector_load %arg5[%get3A_1041, %get3A_1042, %get3A_1043, %get3A_1044] {strides = array<i32>} : memref<16x3x8x128xf32, #tpu.memory_space<vmem>>, vector<1x1x1x16xf32>,
      %get3A_1046 = vector.shape_cast %get3A_1045 : vector<1x1x1x16xf32> to vector<16xf32>
      %swap3A_1047 = arith.constant 0 : i32
      %swap3A_1048 = arith.constant 61 : i32
      %swap3A_1049 = arith.index_cast %swap3A_1047 : i32 to index
      %swap3A_1050 = arith.index_cast %swap3A_1048 : i32 to index
      %swap3A_1051 = arith.index_cast %multiple_of3A : i32 to index
      %swap3A_1052 = tpu.vector_load %arg6[%swap3A_1049, %swap3A_1050, %swap3A_1051] {strides = array<i32>} : memref<3x68x128xf32, #tpu.memory_space<vmem>>, vector<1x1x16xf32>,
      %swap3A_1053 = vector.shape_cast %swap3A_1052 : vector<1x1x16xf32> to vector<16xf32>
      %swap3A_1054 = vector.shape_cast %get3A_1046 : vector<16xf32> to vector<1x1x16xf32>
      tpu.vector_store %arg6[%swap3A_1049, %swap3A_1050, %swap3A_1051], %swap3A_1054 {strides = array<i32>} : memref<3x68x128xf32, #tpu.memory_space<vmem>>, vector<1x1x16xf32>,
      %get3A_1055 = arith.constant 9 : i32
      %get3A_1056 = arith.constant 1 : i32
      %get3A_1057 = arith.constant 4 : i32
      %get3A_1058 = arith.index_cast %get3A_1055 : i32 to index
      %get3A_1059 = arith.index_cast %get3A_1056 : i32 to index
      %get3A_1060 = arith.index_cast %get3A_1057 : i32 to index
      %get3A_1061 = arith.index_cast %multiple_of3A : i32 to index
      %get3A_1062 = tpu.vector_load %arg5[%get3A_1058, %get3A_1059, %get3A_1060, %get3A_1061] {strides = array<i32>} : memref<16x3x8x128xf32, #tpu.memory_space<vmem>>, vector<1x1x1x16xf32>,
      %get3A_1063 = vector.shape_cast %get3A_1062 : vector<1x1x1x16xf32> to vector<16xf32>
      %swap3A_1064 = arith.constant 1 : i32
      %swap3A_1065 = arith.constant 61 : i32
      %swap3A_1066 = arith.index_cast %swap3A_1064 : i32 to index
      %swap3A_1067 = arith.index_cast %swap3A_1065 : i32 to index
      %swap3A_1068 = arith.index_cast %multiple_of3A : i32 to index
      %swap3A_1069 = tpu.vector_load %arg6[%swap3A_1066, %swap3A_1067, %swap3A_1068] {strides = array<i32>} : memref<3x68x128xf32, #tpu.memory_space<vmem>>, vector<1x1x16xf32>,
      %swap3A_1070 = vector.shape_cast %swap3A_1069 : vector<1x1x16xf32> to vector<16xf32>
      %swap3A_1071 = vector.shape_cast %get3A_1063 : vector<16xf32> to vector<1x1x16xf32>
      tpu.vector_store %arg6[%swap3A_1066, %swap3A_1067, %swap3A_1068], %swap3A_1071 {strides = array<i32>} : memref<3x68x128xf32, #tpu.memory_space<vmem>>, vector<1x1x16xf32>,
      %get3A_1072 = arith.constant 9 : i32
      %get3A_1073 = arith.constant 2 : i32
      %get3A_1074 = arith.constant 4 : i32
      %get3A_1075 = arith.index_cast %get3A_1072 : i32 to index
      %get3A_1076 = arith.index_cast %get3A_1073 : i32 to index
      %get3A_1077 = arith.index_cast %get3A_1074 : i32 to index
      %get3A_1078 = arith.index_cast %multiple_of3A : i32 to index
      %get3A_1079 = tpu.vector_load %arg5[%get3A_1075, %get3A_1076, %get3A_1077, %get3A_1078] {strides = array<i32>} : memref<16x3x8x128xf32, #tpu.memory_space<vmem>>, vector<1x1x1x16xf32>,
      %get3A_1080 = vector.shape_cast %get3A_1079 : vector<1x1x1x16xf32> to vector<16xf32>
      %swap3A_1081 = arith.constant 2 : i32
      %swap3A_1082 = arith.constant 61 : i32
      %swap3A_1083 = arith.index_cast %swap3A_1081 : i32 to index
      %swap3A_1084 = arith.index_cast %swap3A_1082 : i32 to index
      %swap3A_1085 = arith.index_cast %multiple_of3A : i32 to index
      %swap3A_1086 = tpu.vector_load %arg6[%swap3A_1083, %swap3A_1084, %swap3A_1085] {strides = array<i32>} : memref<3x68x128xf32, #tpu.memory_space<vmem>>, vector<1x1x16xf32>,
      %swap3A_1087 = vector.shape_cast %swap3A_1086 : vector<1x1x16xf32> to vector<16xf32>
      %swap3A_1088 = vector.shape_cast %get3A_1080 : vector<16xf32> to vector<1x1x16xf32>
      tpu.vector_store %arg6[%swap3A_1083, %swap3A_1084, %swap3A_1085], %swap3A_1088 {strides = array<i32>} : memref<3x68x128xf32, #tpu.memory_space<vmem>>, vector<1x1x16xf32>,
      %get3A_1089 = arith.constant 10 : i32
      %get3A_1090 = arith.constant 0 : i32
      %get3A_1091 = arith.constant 1 : i32
      %get3A_1092 = arith.index_cast %get3A_1089 : i32 to index
      %get3A_1093 = arith.index_cast %get3A_1090 : i32 to index
      %get3A_1094 = arith.index_cast %get3A_1091 : i32 to index
      %get3A_1095 = arith.index_cast %multiple_of3A : i32 to index
      %get3A_1096 = tpu.vector_load %arg5[%get3A_1092, %get3A_1093, %get3A_1094, %get3A_1095] {strides = array<i32>} : memref<16x3x8x128xf32, #tpu.memory_space<vmem>>, vector<1x1x1x16xf32>,
      %get3A_1097 = vector.shape_cast %get3A_1096 : vector<1x1x1x16xf32> to vector<16xf32>
      %swap3A_1098 = arith.constant 0 : i32
      %swap3A_1099 = arith.constant 62 : i32
      %swap3A_1100 = arith.index_cast %swap3A_1098 : i32 to index
      %swap3A_1101 = arith.index_cast %swap3A_1099 : i32 to index
      %swap3A_1102 = arith.index_cast %multiple_of3A : i32 to index
      %swap3A_1103 = tpu.vector_load %arg6[%swap3A_1100, %swap3A_1101, %swap3A_1102] {strides = array<i32>} : memref<3x68x128xf32, #tpu.memory_space<vmem>>, vector<1x1x16xf32>,
      %swap3A_1104 = vector.shape_cast %swap3A_1103 : vector<1x1x16xf32> to vector<16xf32>
      %swap3A_1105 = vector.shape_cast %get3A_1097 : vector<16xf32> to vector<1x1x16xf32>
      tpu.vector_store %arg6[%swap3A_1100, %swap3A_1101, %swap3A_1102], %swap3A_1105 {strides = array<i32>} : memref<3x68x128xf32, #tpu.memory_space<vmem>>, vector<1x1x16xf32>,
      %get3A_1106 = arith.constant 10 : i32
      %get3A_1107 = arith.constant 1 : i32
      %get3A_1108 = arith.constant 1 : i32
      %get3A_1109 = arith.index_cast %get3A_1106 : i32 to index
      %get3A_1110 = arith.index_cast %get3A_1107 : i32 to index
      %get3A_1111 = arith.index_cast %get3A_1108 : i32 to index
      %get3A_1112 = arith.index_cast %multiple_of3A : i32 to index
      %get3A_1113 = tpu.vector_load %arg5[%get3A_1109, %get3A_1110, %get3A_1111, %get3A_1112] {strides = array<i32>} : memref<16x3x8x128xf32, #tpu.memory_space<vmem>>, vector<1x1x1x16xf32>,
      %get3A_1114 = vector.shape_cast %get3A_1113 : vector<1x1x1x16xf32> to vector<16xf32>
      %swap3A_1115 = arith.constant 1 : i32
      %swap3A_1116 = arith.constant 62 : i32
      %swap3A_1117 = arith.index_cast %swap3A_1115 : i32 to index
      %swap3A_1118 = arith.index_cast %swap3A_1116 : i32 to index
      %swap3A_1119 = arith.index_cast %multiple_of3A : i32 to index
      %swap3A_1120 = tpu.vector_load %arg6[%swap3A_1117, %swap3A_1118, %swap3A_1119] {strides = array<i32>} : memref<3x68x128xf32, #tpu.memory_space<vmem>>, vector<1x1x16xf32>,
      %swap3A_1121 = vector.shape_cast %swap3A_1120 : vector<1x1x16xf32> to vector<16xf32>
      %swap3A_1122 = vector.shape_cast %get3A_1114 : vector<16xf32> to vector<1x1x16xf32>
      tpu.vector_store %arg6[%swap3A_1117, %swap3A_1118, %swap3A_1119], %swap3A_1122 {strides = array<i32>} : memref<3x68x128xf32, #tpu.memory_space<vmem>>, vector<1x1x16xf32>,
      %get3A_1123 = arith.constant 10 : i32
      %get3A_1124 = arith.constant 2 : i32
      %get3A_1125 = arith.constant 1 : i32
      %get3A_1126 = arith.index_cast %get3A_1123 : i32 to index
      %get3A_1127 = arith.index_cast %get3A_1124 : i32 to index
      %get3A_1128 = arith.index_cast %get3A_1125 : i32 to index
      %get3A_1129 = arith.index_cast %multiple_of3A : i32 to index
      %get3A_1130 = tpu.vector_load %arg5[%get3A_1126, %get3A_1127, %get3A_1128, %get3A_1129] {strides = array<i32>} : memref<16x3x8x128xf32, #tpu.memory_space<vmem>>, vector<1x1x1x16xf32>,
      %get3A_1131 = vector.shape_cast %get3A_1130 : vector<1x1x1x16xf32> to vector<16xf32>
      %swap3A_1132 = arith.constant 2 : i32
      %swap3A_1133 = arith.constant 62 : i32
      %swap3A_1134 = arith.index_cast %swap3A_1132 : i32 to index
      %swap3A_1135 = arith.index_cast %swap3A_1133 : i32 to index
      %swap3A_1136 = arith.index_cast %multiple_of3A : i32 to index
      %swap3A_1137 = tpu.vector_load %arg6[%swap3A_1134, %swap3A_1135, %swap3A_1136] {strides = array<i32>} : memref<3x68x128xf32, #tpu.memory_space<vmem>>, vector<1x1x16xf32>,
      %swap3A_1138 = vector.shape_cast %swap3A_1137 : vector<1x1x16xf32> to vector<16xf32>
      %swap3A_1139 = vector.shape_cast %get3A_1131 : vector<16xf32> to vector<1x1x16xf32>
      tpu.vector_store %arg6[%swap3A_1134, %swap3A_1135, %swap3A_1136], %swap3A_1139 {strides = array<i32>} : memref<3x68x128xf32, #tpu.memory_space<vmem>>, vector<1x1x16xf32>,
      %get3A_1140 = arith.constant 11 : i32
      %get3A_1141 = arith.constant 0 : i32
      %get3A_1142 = arith.constant 7 : i32
      %get3A_1143 = arith.index_cast %get3A_1140 : i32 to index
      %get3A_1144 = arith.index_cast %get3A_1141 : i32 to index
      %get3A_1145 = arith.index_cast %get3A_1142 : i32 to index
      %get3A_1146 = arith.index_cast %multiple_of3A : i32 to index
      %get3A_1147 = tpu.vector_load %arg5[%get3A_1143, %get3A_1144, %get3A_1145, %get3A_1146] {strides = array<i32>} : memref<16x3x8x128xf32, #tpu.memory_space<vmem>>, vector<1x1x1x16xf32>,
      %get3A_1148 = vector.shape_cast %get3A_1147 : vector<1x1x1x16xf32> to vector<16xf32>
      %swap3A_1149 = arith.constant 0 : i32
      %swap3A_1150 = arith.constant 63 : i32
      %swap3A_1151 = arith.index_cast %swap3A_1149 : i32 to index
      %swap3A_1152 = arith.index_cast %swap3A_1150 : i32 to index
      %swap3A_1153 = arith.index_cast %multiple_of3A : i32 to index
      %swap3A_1154 = tpu.vector_load %arg6[%swap3A_1151, %swap3A_1152, %swap3A_1153] {strides = array<i32>} : memref<3x68x128xf32, #tpu.memory_space<vmem>>, vector<1x1x16xf32>,
      %swap3A_1155 = vector.shape_cast %swap3A_1154 : vector<1x1x16xf32> to vector<16xf32>
      %swap3A_1156 = vector.shape_cast %get3A_1148 : vector<16xf32> to vector<1x1x16xf32>
      tpu.vector_store %arg6[%swap3A_1151, %swap3A_1152, %swap3A_1153], %swap3A_1156 {strides = array<i32>} : memref<3x68x128xf32, #tpu.memory_space<vmem>>, vector<1x1x16xf32>,
      %get3A_1157 = arith.constant 11 : i32
      %get3A_1158 = arith.constant 1 : i32
      %get3A_1159 = arith.constant 7 : i32
      %get3A_1160 = arith.index_cast %get3A_1157 : i32 to index
      %get3A_1161 = arith.index_cast %get3A_1158 : i32 to index
      %get3A_1162 = arith.index_cast %get3A_1159 : i32 to index
      %get3A_1163 = arith.index_cast %multiple_of3A : i32 to index
      %get3A_1164 = tpu.vector_load %arg5[%get3A_1160, %get3A_1161, %get3A_1162, %get3A_1163] {strides = array<i32>} : memref<16x3x8x128xf32, #tpu.memory_space<vmem>>, vector<1x1x1x16xf32>,
      %get3A_1165 = vector.shape_cast %get3A_1164 : vector<1x1x1x16xf32> to vector<16xf32>
      %swap3A_1166 = arith.constant 1 : i32
      %swap3A_1167 = arith.constant 63 : i32
      %swap3A_1168 = arith.index_cast %swap3A_1166 : i32 to index
      %swap3A_1169 = arith.index_cast %swap3A_1167 : i32 to index
      %swap3A_1170 = arith.index_cast %multiple_of3A : i32 to index
      %swap3A_1171 = tpu.vector_load %arg6[%swap3A_1168, %swap3A_1169, %swap3A_1170] {strides = array<i32>} : memref<3x68x128xf32, #tpu.memory_space<vmem>>, vector<1x1x16xf32>,
      %swap3A_1172 = vector.shape_cast %swap3A_1171 : vector<1x1x16xf32> to vector<16xf32>
      %swap3A_1173 = vector.shape_cast %get3A_1165 : vector<16xf32> to vector<1x1x16xf32>
      tpu.vector_store %arg6[%swap3A_1168, %swap3A_1169, %swap3A_1170], %swap3A_1173 {strides = array<i32>} : memref<3x68x128xf32, #tpu.memory_space<vmem>>, vector<1x1x16xf32>,
      %get3A_1174 = arith.constant 11 : i32
      %get3A_1175 = arith.constant 2 : i32
      %get3A_1176 = arith.constant 7 : i32
      %get3A_1177 = arith.index_cast %get3A_1174 : i32 to index
      %get3A_1178 = arith.index_cast %get3A_1175 : i32 to index
      %get3A_1179 = arith.index_cast %get3A_1176 : i32 to index
      %get3A_1180 = arith.index_cast %multiple_of3A : i32 to index
      %get3A_1181 = tpu.vector_load %arg5[%get3A_1177, %get3A_1178, %get3A_1179, %get3A_1180] {strides = array<i32>} : memref<16x3x8x128xf32, #tpu.memory_space<vmem>>, vector<1x1x1x16xf32>,
      %get3A_1182 = vector.shape_cast %get3A_1181 : vector<1x1x1x16xf32> to vector<16xf32>
      %swap3A_1183 = arith.constant 2 : i32
      %swap3A_1184 = arith.constant 63 : i32
      %swap3A_1185 = arith.index_cast %swap3A_1183 : i32 to index
      %swap3A_1186 = arith.index_cast %swap3A_1184 : i32 to index
      %swap3A_1187 = arith.index_cast %multiple_of3A : i32 to index
      %swap3A_1188 = tpu.vector_load %arg6[%swap3A_1185, %swap3A_1186, %swap3A_1187] {strides = array<i32>} : memref<3x68x128xf32, #tpu.memory_space<vmem>>, vector<1x1x16xf32>,
      %swap3A_1189 = vector.shape_cast %swap3A_1188 : vector<1x1x16xf32> to vector<16xf32>
      %swap3A_1190 = vector.shape_cast %get3A_1182 : vector<16xf32> to vector<1x1x16xf32>
      tpu.vector_store %arg6[%swap3A_1185, %swap3A_1186, %swap3A_1187], %swap3A_1190 {strides = array<i32>} : memref<3x68x128xf32, #tpu.memory_space<vmem>>, vector<1x1x16xf32>,
      %get3A_1191 = arith.constant 12 : i32
      %get3A_1192 = arith.constant 0 : i32
      %get3A_1193 = arith.constant 6 : i32
      %get3A_1194 = arith.index_cast %get3A_1191 : i32 to index
      %get3A_1195 = arith.index_cast %get3A_1192 : i32 to index
      %get3A_1196 = arith.index_cast %get3A_1193 : i32 to index
      %get3A_1197 = arith.index_cast %multiple_of3A : i32 to index
      %get3A_1198 = tpu.vector_load %arg5[%get3A_1194, %get3A_1195, %get3A_1196, %get3A_1197] {strides = array<i32>} : memref<16x3x8x128xf32, #tpu.memory_space<vmem>>, vector<1x1x1x16xf32>,
      %get3A_1199 = vector.shape_cast %get3A_1198 : vector<1x1x1x16xf32> to vector<16xf32>
      %swap3A_1200 = arith.constant 0 : i32
      %swap3A_1201 = arith.constant 64 : i32
      %swap3A_1202 = arith.index_cast %swap3A_1200 : i32 to index
      %swap3A_1203 = arith.index_cast %swap3A_1201 : i32 to index
      %swap3A_1204 = arith.index_cast %multiple_of3A : i32 to index
      %swap3A_1205 = tpu.vector_load %arg6[%swap3A_1202, %swap3A_1203, %swap3A_1204] {strides = array<i32>} : memref<3x68x128xf32, #tpu.memory_space<vmem>>, vector<1x1x16xf32>,
      %swap3A_1206 = vector.shape_cast %swap3A_1205 : vector<1x1x16xf32> to vector<16xf32>
      %swap3A_1207 = vector.shape_cast %get3A_1199 : vector<16xf32> to vector<1x1x16xf32>
      tpu.vector_store %arg6[%swap3A_1202, %swap3A_1203, %swap3A_1204], %swap3A_1207 {strides = array<i32>} : memref<3x68x128xf32, #tpu.memory_space<vmem>>, vector<1x1x16xf32>,
      %get3A_1208 = arith.constant 12 : i32
      %get3A_1209 = arith.constant 1 : i32
      %get3A_1210 = arith.constant 6 : i32
      %get3A_1211 = arith.index_cast %get3A_1208 : i32 to index
      %get3A_1212 = arith.index_cast %get3A_1209 : i32 to index
      %get3A_1213 = arith.index_cast %get3A_1210 : i32 to index
      %get3A_1214 = arith.index_cast %multiple_of3A : i32 to index
      %get3A_1215 = tpu.vector_load %arg5[%get3A_1211, %get3A_1212, %get3A_1213, %get3A_1214] {strides = array<i32>} : memref<16x3x8x128xf32, #tpu.memory_space<vmem>>, vector<1x1x1x16xf32>,
      %get3A_1216 = vector.shape_cast %get3A_1215 : vector<1x1x1x16xf32> to vector<16xf32>
      %swap3A_1217 = arith.constant 1 : i32
      %swap3A_1218 = arith.constant 64 : i32
      %swap3A_1219 = arith.index_cast %swap3A_1217 : i32 to index
      %swap3A_1220 = arith.index_cast %swap3A_1218 : i32 to index
      %swap3A_1221 = arith.index_cast %multiple_of3A : i32 to index
      %swap3A_1222 = tpu.vector_load %arg6[%swap3A_1219, %swap3A_1220, %swap3A_1221] {strides = array<i32>} : memref<3x68x128xf32, #tpu.memory_space<vmem>>, vector<1x1x16xf32>,
      %swap3A_1223 = vector.shape_cast %swap3A_1222 : vector<1x1x16xf32> to vector<16xf32>
      %swap3A_1224 = vector.shape_cast %get3A_1216 : vector<16xf32> to vector<1x1x16xf32>
      tpu.vector_store %arg6[%swap3A_1219, %swap3A_1220, %swap3A_1221], %swap3A_1224 {strides = array<i32>} : memref<3x68x128xf32, #tpu.memory_space<vmem>>, vector<1x1x16xf32>,
      %get3A_1225 = arith.constant 12 : i32
      %get3A_1226 = arith.constant 2 : i32
      %get3A_1227 = arith.constant 6 : i32
      %get3A_1228 = arith.index_cast %get3A_1225 : i32 to index
      %get3A_1229 = arith.index_cast %get3A_1226 : i32 to index
      %get3A_1230 = arith.index_cast %get3A_1227 : i32 to index
      %get3A_1231 = arith.index_cast %multiple_of3A : i32 to index
      %get3A_1232 = tpu.vector_load %arg5[%get3A_1228, %get3A_1229, %get3A_1230, %get3A_1231] {strides = array<i32>} : memref<16x3x8x128xf32, #tpu.memory_space<vmem>>, vector<1x1x1x16xf32>,
      %get3A_1233 = vector.shape_cast %get3A_1232 : vector<1x1x1x16xf32> to vector<16xf32>
      %swap3A_1234 = arith.constant 2 : i32
      %swap3A_1235 = arith.constant 64 : i32
      %swap3A_1236 = arith.index_cast %swap3A_1234 : i32 to index
      %swap3A_1237 = arith.index_cast %swap3A_1235 : i32 to index
      %swap3A_1238 = arith.index_cast %multiple_of3A : i32 to index
      %swap3A_1239 = tpu.vector_load %arg6[%swap3A_1236, %swap3A_1237, %swap3A_1238] {strides = array<i32>} : memref<3x68x128xf32, #tpu.memory_space<vmem>>, vector<1x1x16xf32>,
      %swap3A_1240 = vector.shape_cast %swap3A_1239 : vector<1x1x16xf32> to vector<16xf32>
      %swap3A_1241 = vector.shape_cast %get3A_1233 : vector<16xf32> to vector<1x1x16xf32>
      tpu.vector_store %arg6[%swap3A_1236, %swap3A_1237, %swap3A_1238], %swap3A_1241 {strides = array<i32>} : memref<3x68x128xf32, #tpu.memory_space<vmem>>, vector<1x1x16xf32>,
      %get3A_1242 = arith.constant 13 : i32
      %get3A_1243 = arith.constant 0 : i32
      %get3A_1244 = arith.constant 1 : i32
      %get3A_1245 = arith.index_cast %get3A_1242 : i32 to index
      %get3A_1246 = arith.index_cast %get3A_1243 : i32 to index
      %get3A_1247 = arith.index_cast %get3A_1244 : i32 to index
      %get3A_1248 = arith.index_cast %multiple_of3A : i32 to index
      %get3A_1249 = tpu.vector_load %arg5[%get3A_1245, %get3A_1246, %get3A_1247, %get3A_1248] {strides = array<i32>} : memref<16x3x8x128xf32, #tpu.memory_space<vmem>>, vector<1x1x1x16xf32>,
      %get3A_1250 = vector.shape_cast %get3A_1249 : vector<1x1x1x16xf32> to vector<16xf32>
      %swap3A_1251 = arith.constant 0 : i32
      %swap3A_1252 = arith.constant 65 : i32
      %swap3A_1253 = arith.index_cast %swap3A_1251 : i32 to index
      %swap3A_1254 = arith.index_cast %swap3A_1252 : i32 to index
      %swap3A_1255 = arith.index_cast %multiple_of3A : i32 to index
      %swap3A_1256 = tpu.vector_load %arg6[%swap3A_1253, %swap3A_1254, %swap3A_1255] {strides = array<i32>} : memref<3x68x128xf32, #tpu.memory_space<vmem>>, vector<1x1x16xf32>,
      %swap3A_1257 = vector.shape_cast %swap3A_1256 : vector<1x1x16xf32> to vector<16xf32>
      %swap3A_1258 = vector.shape_cast %get3A_1250 : vector<16xf32> to vector<1x1x16xf32>
      tpu.vector_store %arg6[%swap3A_1253, %swap3A_1254, %swap3A_1255], %swap3A_1258 {strides = array<i32>} : memref<3x68x128xf32, #tpu.memory_space<vmem>>, vector<1x1x16xf32>,
      %get3A_1259 = arith.constant 13 : i32
      %get3A_1260 = arith.constant 1 : i32
      %get3A_1261 = arith.constant 1 : i32
      %get3A_1262 = arith.index_cast %get3A_1259 : i32 to index
      %get3A_1263 = arith.index_cast %get3A_1260 : i32 to index
      %get3A_1264 = arith.index_cast %get3A_1261 : i32 to index
      %get3A_1265 = arith.index_cast %multiple_of3A : i32 to index
      %get3A_1266 = tpu.vector_load %arg5[%get3A_1262, %get3A_1263, %get3A_1264, %get3A_1265] {strides = array<i32>} : memref<16x3x8x128xf32, #tpu.memory_space<vmem>>, vector<1x1x1x16xf32>,
      %get3A_1267 = vector.shape_cast %get3A_1266 : vector<1x1x1x16xf32> to vector<16xf32>
      %swap3A_1268 = arith.constant 1 : i32
      %swap3A_1269 = arith.constant 65 : i32
      %swap3A_1270 = arith.index_cast %swap3A_1268 : i32 to index
      %swap3A_1271 = arith.index_cast %swap3A_1269 : i32 to index
      %swap3A_1272 = arith.index_cast %multiple_of3A : i32 to index
      %swap3A_1273 = tpu.vector_load %arg6[%swap3A_1270, %swap3A_1271, %swap3A_1272] {strides = array<i32>} : memref<3x68x128xf32, #tpu.memory_space<vmem>>, vector<1x1x16xf32>,
      %swap3A_1274 = vector.shape_cast %swap3A_1273 : vector<1x1x16xf32> to vector<16xf32>
      %swap3A_1275 = vector.shape_cast %get3A_1267 : vector<16xf32> to vector<1x1x16xf32>
      tpu.vector_store %arg6[%swap3A_1270, %swap3A_1271, %swap3A_1272], %swap3A_1275 {strides = array<i32>} : memref<3x68x128xf32, #tpu.memory_space<vmem>>, vector<1x1x16xf32>,
      %get3A_1276 = arith.constant 13 : i32
      %get3A_1277 = arith.constant 2 : i32
      %get3A_1278 = arith.constant 1 : i32
      %get3A_1279 = arith.index_cast %get3A_1276 : i32 to index
      %get3A_1280 = arith.index_cast %get3A_1277 : i32 to index
      %get3A_1281 = arith.index_cast %get3A_1278 : i32 to index
      %get3A_1282 = arith.index_cast %multiple_of3A : i32 to index
      %get3A_1283 = tpu.vector_load %arg5[%get3A_1279, %get3A_1280, %get3A_1281, %get3A_1282] {strides = array<i32>} : memref<16x3x8x128xf32, #tpu.memory_space<vmem>>, vector<1x1x1x16xf32>,
      %get3A_1284 = vector.shape_cast %get3A_1283 : vector<1x1x1x16xf32> to vector<16xf32>
      %swap3A_1285 = arith.constant 2 : i32
      %swap3A_1286 = arith.constant 65 : i32
      %swap3A_1287 = arith.index_cast %swap3A_1285 : i32 to index
      %swap3A_1288 = arith.index_cast %swap3A_1286 : i32 to index
      %swap3A_1289 = arith.index_cast %multiple_of3A : i32 to index
      %swap3A_1290 = tpu.vector_load %arg6[%swap3A_1287, %swap3A_1288, %swap3A_1289] {strides = array<i32>} : memref<3x68x128xf32, #tpu.memory_space<vmem>>, vector<1x1x16xf32>,
      %swap3A_1291 = vector.shape_cast %swap3A_1290 : vector<1x1x16xf32> to vector<16xf32>
      %swap3A_1292 = vector.shape_cast %get3A_1284 : vector<16xf32> to vector<1x1x16xf32>
      tpu.vector_store %arg6[%swap3A_1287, %swap3A_1288, %swap3A_1289], %swap3A_1292 {strides = array<i32>} : memref<3x68x128xf32, #tpu.memory_space<vmem>>, vector<1x1x16xf32>,
      %get3A_1293 = arith.constant 14 : i32
      %get3A_1294 = arith.constant 0 : i32
      %get3A_1295 = arith.constant 0 : i32
      %get3A_1296 = arith.index_cast %get3A_1293 : i32 to index
      %get3A_1297 = arith.index_cast %get3A_1294 : i32 to index
      %get3A_1298 = arith.index_cast %get3A_1295 : i32 to index
      %get3A_1299 = arith.index_cast %multiple_of3A : i32 to index
      %get3A_1300 = tpu.vector_load %arg5[%get3A_1296, %get3A_1297, %get3A_1298, %get3A_1299] {strides = array<i32>} : memref<16x3x8x128xf32, #tpu.memory_space<vmem>>, vector<1x1x1x16xf32>,
      %get3A_1301 = vector.shape_cast %get3A_1300 : vector<1x1x1x16xf32> to vector<16xf32>
      %swap3A_1302 = arith.constant 0 : i32
      %swap3A_1303 = arith.constant 66 : i32
      %swap3A_1304 = arith.index_cast %swap3A_1302 : i32 to index
      %swap3A_1305 = arith.index_cast %swap3A_1303 : i32 to index
      %swap3A_1306 = arith.index_cast %multiple_of3A : i32 to index
      %swap3A_1307 = tpu.vector_load %arg6[%swap3A_1304, %swap3A_1305, %swap3A_1306] {strides = array<i32>} : memref<3x68x128xf32, #tpu.memory_space<vmem>>, vector<1x1x16xf32>,
      %swap3A_1308 = vector.shape_cast %swap3A_1307 : vector<1x1x16xf32> to vector<16xf32>
      %swap3A_1309 = vector.shape_cast %get3A_1301 : vector<16xf32> to vector<1x1x16xf32>
      tpu.vector_store %arg6[%swap3A_1304, %swap3A_1305, %swap3A_1306], %swap3A_1309 {strides = array<i32>} : memref<3x68x128xf32, #tpu.memory_space<vmem>>, vector<1x1x16xf32>,
      %get3A_1310 = arith.constant 14 : i32
      %get3A_1311 = arith.constant 1 : i32
      %get3A_1312 = arith.constant 0 : i32
      %get3A_1313 = arith.index_cast %get3A_1310 : i32 to index
      %get3A_1314 = arith.index_cast %get3A_1311 : i32 to index
      %get3A_1315 = arith.index_cast %get3A_1312 : i32 to index
      %get3A_1316 = arith.index_cast %multiple_of3A : i32 to index
      %get3A_1317 = tpu.vector_load %arg5[%get3A_1313, %get3A_1314, %get3A_1315, %get3A_1316] {strides = array<i32>} : memref<16x3x8x128xf32, #tpu.memory_space<vmem>>, vector<1x1x1x16xf32>,
      %get3A_1318 = vector.shape_cast %get3A_1317 : vector<1x1x1x16xf32> to vector<16xf32>
      %swap3A_1319 = arith.constant 1 : i32
      %swap3A_1320 = arith.constant 66 : i32
      %swap3A_1321 = arith.index_cast %swap3A_1319 : i32 to index
      %swap3A_1322 = arith.index_cast %swap3A_1320 : i32 to index
      %swap3A_1323 = arith.index_cast %multiple_of3A : i32 to index
      %swap3A_1324 = tpu.vector_load %arg6[%swap3A_1321, %swap3A_1322, %swap3A_1323] {strides = array<i32>} : memref<3x68x128xf32, #tpu.memory_space<vmem>>, vector<1x1x16xf32>,
      %swap3A_1325 = vector.shape_cast %swap3A_1324 : vector<1x1x16xf32> to vector<16xf32>
      %swap3A_1326 = vector.shape_cast %get3A_1318 : vector<16xf32> to vector<1x1x16xf32>
      tpu.vector_store %arg6[%swap3A_1321, %swap3A_1322, %swap3A_1323], %swap3A_1326 {strides = array<i32>} : memref<3x68x128xf32, #tpu.memory_space<vmem>>, vector<1x1x16xf32>,
      %get3A_1327 = arith.constant 14 : i32
      %get3A_1328 = arith.constant 2 : i32
      %get3A_1329 = arith.constant 0 : i32
      %get3A_1330 = arith.index_cast %get3A_1327 : i32 to index
      %get3A_1331 = arith.index_cast %get3A_1328 : i32 to index
      %get3A_1332 = arith.index_cast %get3A_1329 : i32 to index
      %get3A_1333 = arith.index_cast %multiple_of3A : i32 to index
      %get3A_1334 = tpu.vector_load %arg5[%get3A_1330, %get3A_1331, %get3A_1332, %get3A_1333] {strides = array<i32>} : memref<16x3x8x128xf32, #tpu.memory_space<vmem>>, vector<1x1x1x16xf32>,
      %get3A_1335 = vector.shape_cast %get3A_1334 : vector<1x1x1x16xf32> to vector<16xf32>
      %swap3A_1336 = arith.constant 2 : i32
      %swap3A_1337 = arith.constant 66 : i32
      %swap3A_1338 = arith.index_cast %swap3A_1336 : i32 to index
      %swap3A_1339 = arith.index_cast %swap3A_1337 : i32 to index
      %swap3A_1340 = arith.index_cast %multiple_of3A : i32 to index
      %swap3A_1341 = tpu.vector_load %arg6[%swap3A_1338, %swap3A_1339, %swap3A_1340] {strides = array<i32>} : memref<3x68x128xf32, #tpu.memory_space<vmem>>, vector<1x1x16xf32>,
      %swap3A_1342 = vector.shape_cast %swap3A_1341 : vector<1x1x16xf32> to vector<16xf32>
      %swap3A_1343 = vector.shape_cast %get3A_1335 : vector<16xf32> to vector<1x1x16xf32>
      tpu.vector_store %arg6[%swap3A_1338, %swap3A_1339, %swap3A_1340], %swap3A_1343 {strides = array<i32>} : memref<3x68x128xf32, #tpu.memory_space<vmem>>, vector<1x1x16xf32>,
      %get3A_1344 = arith.constant 15 : i32
      %get3A_1345 = arith.constant 0 : i32
      %get3A_1346 = arith.constant 5 : i32
      %get3A_1347 = arith.index_cast %get3A_1344 : i32 to index
      %get3A_1348 = arith.index_cast %get3A_1345 : i32 to index
      %get3A_1349 = arith.index_cast %get3A_1346 : i32 to index
      %get3A_1350 = arith.index_cast %multiple_of3A : i32 to index
      %get3A_1351 = tpu.vector_load %arg5[%get3A_1347, %get3A_1348, %get3A_1349, %get3A_1350] {strides = array<i32>} : memref<16x3x8x128xf32, #tpu.memory_space<vmem>>, vector<1x1x1x16xf32>,
      %get3A_1352 = vector.shape_cast %get3A_1351 : vector<1x1x1x16xf32> to vector<16xf32>
      %swap3A_1353 = arith.constant 0 : i32
      %swap3A_1354 = arith.constant 67 : i32
      %swap3A_1355 = arith.index_cast %swap3A_1353 : i32 to index
      %swap3A_1356 = arith.index_cast %swap3A_1354 : i32 to index
      %swap3A_1357 = arith.index_cast %multiple_of3A : i32 to index
      %swap3A_1358 = tpu.vector_load %arg6[%swap3A_1355, %swap3A_1356, %swap3A_1357] {strides = array<i32>} : memref<3x68x128xf32, #tpu.memory_space<vmem>>, vector<1x1x16xf32>,
      %swap3A_1359 = vector.shape_cast %swap3A_1358 : vector<1x1x16xf32> to vector<16xf32>
      %swap3A_1360 = vector.shape_cast %get3A_1352 : vector<16xf32> to vector<1x1x16xf32>
      tpu.vector_store %arg6[%swap3A_1355, %swap3A_1356, %swap3A_1357], %swap3A_1360 {strides = array<i32>} : memref<3x68x128xf32, #tpu.memory_space<vmem>>, vector<1x1x16xf32>,
      %get3A_1361 = arith.constant 15 : i32
      %get3A_1362 = arith.constant 1 : i32
      %get3A_1363 = arith.constant 5 : i32
      %get3A_1364 = arith.index_cast %get3A_1361 : i32 to index
      %get3A_1365 = arith.index_cast %get3A_1362 : i32 to index
      %get3A_1366 = arith.index_cast %get3A_1363 : i32 to index
      %get3A_1367 = arith.index_cast %multiple_of3A : i32 to index
      %get3A_1368 = tpu.vector_load %arg5[%get3A_1364, %get3A_1365, %get3A_1366, %get3A_1367] {strides = array<i32>} : memref<16x3x8x128xf32, #tpu.memory_space<vmem>>, vector<1x1x1x16xf32>,
      %get3A_1369 = vector.shape_cast %get3A_1368 : vector<1x1x1x16xf32> to vector<16xf32>
      %swap3A_1370 = arith.constant 1 : i32
      %swap3A_1371 = arith.constant 67 : i32
      %swap3A_1372 = arith.index_cast %swap3A_1370 : i32 to index
      %swap3A_1373 = arith.index_cast %swap3A_1371 : i32 to index
      %swap3A_1374 = arith.index_cast %multiple_of3A : i32 to index
      %swap3A_1375 = tpu.vector_load %arg6[%swap3A_1372, %swap3A_1373, %swap3A_1374] {strides = array<i32>} : memref<3x68x128xf32, #tpu.memory_space<vmem>>, vector<1x1x16xf32>,
      %swap3A_1376 = vector.shape_cast %swap3A_1375 : vector<1x1x16xf32> to vector<16xf32>
      %swap3A_1377 = vector.shape_cast %get3A_1369 : vector<16xf32> to vector<1x1x16xf32>
      tpu.vector_store %arg6[%swap3A_1372, %swap3A_1373, %swap3A_1374], %swap3A_1377 {strides = array<i32>} : memref<3x68x128xf32, #tpu.memory_space<vmem>>, vector<1x1x16xf32>,
      %get3A_1378 = arith.constant 15 : i32
      %get3A_1379 = arith.constant 2 : i32
      %get3A_1380 = arith.constant 5 : i32
      %get3A_1381 = arith.index_cast %get3A_1378 : i32 to index
      %get3A_1382 = arith.index_cast %get3A_1379 : i32 to index
      %get3A_1383 = arith.index_cast %get3A_1380 : i32 to index
      %get3A_1384 = arith.index_cast %multiple_of3A : i32 to index
      %get3A_1385 = tpu.vector_load %arg5[%get3A_1381, %get3A_1382, %get3A_1383, %get3A_1384] {strides = array<i32>} : memref<16x3x8x128xf32, #tpu.memory_space<vmem>>, vector<1x1x1x16xf32>,
      %get3A_1386 = vector.shape_cast %get3A_1385 : vector<1x1x1x16xf32> to vector<16xf32>
      %swap3A_1387 = arith.constant 2 : i32
      %swap3A_1388 = arith.constant 67 : i32
      %swap3A_1389 = arith.index_cast %swap3A_1387 : i32 to index
      %swap3A_1390 = arith.index_cast %swap3A_1388 : i32 to index
      %swap3A_1391 = arith.index_cast %multiple_of3A : i32 to index
      %swap3A_1392 = tpu.vector_load %arg6[%swap3A_1389, %swap3A_1390, %swap3A_1391] {strides = array<i32>} : memref<3x68x128xf32, #tpu.memory_space<vmem>>, vector<1x1x16xf32>,
      %swap3A_1393 = vector.shape_cast %swap3A_1392 : vector<1x1x16xf32> to vector<16xf32>
      %swap3A_1394 = vector.shape_cast %get3A_1386 : vector<16xf32> to vector<1x1x16xf32>
      tpu.vector_store %arg6[%swap3A_1389, %swap3A_1390, %swap3A_1391], %swap3A_1394 {strides = array<i32>} : memref<3x68x128xf32, #tpu.memory_space<vmem>>, vector<1x1x16xf32>,
    }
    %scan3A_577 = arith.constant 8 : i32
    "tpu.region"() ({
      %run_scoped3A = tpu.sem_alloc : memref<!tpu.dma_semaphore, #tpu.memory_space<semaphore_mem>>
      %dma_start3A_578 = arith.constant 0 : i32
      %dma_start3A_579 = arith.constant 0 : i32
      %dma_start3A_580 = tpu.memref_slice %arg4[%dma_start3A_578, %dma_start3A_579, %mul3A_2] : memref<3x68x4096xf32, #tpu.memory_space<hbm>> -> memref<3x68x128xf32, #tpu.memory_space<hbm>>
      %dma_start3A_581 = arith.constant 0 : i32
      %dma_start3A_582 = arith.constant 0 : i32
      %dma_start3A_583 = tpu.memref_slice %arg4[%dma_start3A_581, %dma_start3A_582, %mul3A_2] : memref<3x68x4096xf32, #tpu.memory_space<hbm>> -> memref<3x68x128xf32, #tpu.memory_space<hbm>>
      tpu.enqueue_dma source(%arg6 : memref<3x68x128xf32, #tpu.memory_space<vmem>>) target(%dma_start3A_583 : memref<3x68x128xf32, #tpu.memory_space<hbm>>) target_semaphore(%run_scoped3A : memref<!tpu.dma_semaphore, #tpu.memory_space<semaphore_mem>>)
      %dma_wait3A_584 = arith.constant 0 : i32
      %dma_wait3A_585 = arith.constant 0 : i32
      %dma_wait3A_586 = tpu.memref_slice %arg4[%dma_wait3A_584, %dma_wait3A_585, %mul3A_2] : memref<3x68x4096xf32, #tpu.memory_space<hbm>> -> memref<3x68x128xf32, #tpu.memory_space<hbm>>
      %dma_wait3A_587 = arith.constant 0 : i32
      %dma_wait3A_588 = arith.constant 0 : i32
      %dma_wait3A_589 = tpu.memref_slice %arg4[%dma_wait3A_587, %dma_wait3A_588, %mul3A_2] : memref<3x68x4096xf32, #tpu.memory_space<hbm>> -> memref<3x68x128xf32, #tpu.memory_space<hbm>>
      tpu.wait_dma2 semaphore(%run_scoped3A : memref<!tpu.dma_semaphore, #tpu.memory_space<semaphore_mem>>) src(%arg6 : memref<3x68x128xf32, #tpu.memory_space<vmem>>) dst(%dma_wait3A_589 : memref<3x68x128xf32, #tpu.memory_space<hbm>>)
      tpu.yield
    }) : () -> ()
    return
  }
}

</mosaic_0001>

<sc_bundles>
// kernel: kernel.3.cloned.1.call-start
scs
__scs_entry_jumppad:
0x0: {  	(pc) =	sbr.rel $0x88, $3  }
0x1: {  	(tag) =	ssettag $0x0;
	lr =	simm.s32 $0x1  }
0x2: {  	[smem:$0x3F9F] =	sst lr;
	_ =	strace $0xD0000000  }
0x3: {  	_ = 	snop  }
0x4: {  	_ = 	snop  }
0x5: {  	_ = 	snop  }
0x6: {  	_ = 	snop  }
0x7: {  	_ = 	snop  }
__scs_overlays_trampoline_lowered:
0x8: {  	[smem:$0x3FAE] =	sst s0  }
0x9: {  	[smem:$0x3FAF] =	sst s1  }
0xa: {  	[smem:$0x3FB0] =	sst s2  }
0xb: {  	[smem:$0x3FB1] =	sst s3  }
0xc: {  	[smem:$0x3FB2] =	sst s4  }
0xd: {  	[smem:$0x3FB3] =	sst s5  }
0xe: {  	[smem:$0x3FB4] =	sst s6  }
0xf: {  	[smem:$0x3FB5] =	sst s7  }
0x10: {  	[smem:$0x3FB6] =	sst s8  }
0x11: {  	[smem:$0x3FB7] =	sst s9;
	s0 =	simm.s32 @!p0 $0x0  }
0x12: {  	s1 =	sld [smem:$0x3F9D];
	s0 =	simm.s32 @p0 $0x1  }
0x13: {  	[smem:$0x3FB8] =	sst s0;
	s0 =	simm.s32 @!p1 $0x0  }
0x14: {  	s2 =	sld [smem:$0x3F9C];
	s0 =	simm.s32 @p1 $0x1  }
0x15: {  	[smem:$0x3FB9] =	sst s0;
	s0 =	simm.s32 @!p2 $0x0  }
0x16: {  	s3 =	sld [smem:$0x3FDB];
	s0 =	simm.s32 @p2 $0x1  }
0x17: {  	s4 =	simm.s32 $0x1BF5;
	[smem:$0x3FBB] =	sst s0  }
0x18: {  	s0 =	sld [smem:$0x3F9E];
	_ =	swait.ge [sflag:s4], $0x0  }
0x19: {  	s7 =	sld [smem:$0x3F9F]  }
0x1a: {  	s8 =	sadd.s32 $0xFFFFE003, lr  }
0x1b: {  	s9 =	sadd.s32 $0xFFFFFEF7, lr;
	s5 =	simm.s32 $0xFFFFFFFF;
	p2 =	slt.u32 s8, $0xFFFFF086  }
0x1c: {  	p1 =	slt.u32 s9, $0xF7A;
	s5 =	simm.s32 @!p2 $0x0  }
0x1d: {  	s5 =	simm.s32 @p1 $0x1;
	p0 =	seq.s32 s7, s2  }
0x1e: {  	s7 =	smul.u32 @!p0 $0xF7A, s2;
	p2 =	seq.s32 @!p0 s5, $0x0  }
0x1f: {  	s9 =	smul.u32 $0xF7A, s1;
	s8 =	simm.s32 @!p0 $0x1BF5;
	p2 =	por !p2, p0  }
0x20: {  	[sflag:s8] =	ssyncset.s32 @!p0 $0xFFFFF086;
	s6 =	sadd.s32 @!p0 s3, s7;
	s7 =	simm.s32 @!p0 $0x108  }
0x21: {  	s3 =	sadd.s32 s3, s9;
	s6 =	sadd.s32 @!p0 $0x88, s6;
	s7 =	simm.s32 @p2 $0x1082  }
0x22: {  	[simem:s7], [sflag:s8] =	dma.local @!p0 [hbm:s6], $0xF7A  }
0x23: {  	s9 =	sor.u32 $0xD0000000, s2;
	s6 =	simm.s32 $0x108;
	_ =	swait.ge @!p0 [sflag:s8], $0x0  }
0x24: {  	s3 =	sadd.s32 $0x88, s3;
	s6 =	simm.s32 @!p1 $0x1082;
	[sflag:s4] =	ssyncset.s32 $0xFFFFF086  }
0x25: {  	[simem:s6], [sflag:s4] =	dma.local [hbm:s3], $0xF7A  }
0x26: {  	[smem:$0x3F9F] =	sst s1;
	(tag) =	ssettag s2;
	_ =	strace s9  }
0x27: {  	s1 =	sld [smem:$0x3FAF]  }
0x28: {  	s2 =	sld [smem:$0x3FB0]  }
0x29: {  	s4 =	sld [smem:$0x3FB2]  }
0x2a: {  	p0 =	seq.s32 s5, $0x0;
	s5 =	sld [smem:$0x3FB3]  }
0x2b: {  	s6 =	sld [smem:$0x3FB4]  }
0x2c: {  	s7 =	sld [smem:$0x3FB5]  }
0x2d: {  	s3 =	simm.s32 $0x108;
	s8 =	sld [smem:$0x3FB6]  }
0x2e: {  	s3 =	simm.s32 @!p0 $0x1082;
	s9 =	sld [smem:$0x3FB7]  }
0x2f: {  	lr =	sadd.s32 s0, s3;
	s0 =	sld [smem:$0x3FAE]  }
0x30: {  	s3 =	sld [smem:$0x3FB1]  }
0x31: {  	[smem:$0x3FBA] =	sst s10  }
0x32: {  	s10 =	sld [smem:$0x3FB8];
	_ =	sdelay $0x3  }
0x33: {  	p0 =	seq.s32 s10, $0x1;
	s10 =	sld [smem:$0x3FBA];
	_ =	sdelay $0x3  }
0x34: {  	[smem:$0x3FBA] =	sst s10  }
0x35: {  	s10 =	sld [smem:$0x3FB9];
	_ =	sdelay $0x3  }
0x36: {  	p1 =	seq.s32 s10, $0x1;
	s10 =	sld [smem:$0x3FBA];
	_ =	sdelay $0x3  }
0x37: {  	[smem:$0x3FBA] =	sst s10  }
0x38: {  	s10 =	sld [smem:$0x3FBB]  }
0x39: {  	_ = 	snop;
	(pc) =	sbr.ind lr, $3  }
0x3a: {  	_ = 	snop  }
0x3b: {  	_ = 	snop  }
0x3c: {  	p2 =	seq.s32 s10, $0x1;
	s10 =	sld [smem:$0x3FBA]  }
0x3d: {  	_ =	shalt  }
0x3e: {  	_ =	shalt  }
0x3f: {  	_ =	shalt  }
0x40: {  	_ =	shalt  }
0x41: {  	_ =	shalt  }
0x42: {  	_ =	shalt  }
0x43: {  	_ =	shalt  }
0x44: {  	_ =	shalt  }
0x45: {  	_ =	shalt  }
0x46: {  	_ =	shalt  }
0x47: {  	_ =	shalt  }
0x48: {  	_ =	shalt  }
0x49: {  	_ =	shalt  }
0x4a: {  	_ =	shalt  }
0x4b: {  	_ =	shalt  }
0x4c: {  	_ =	shalt  }
0x4d: {  	_ =	shalt  }
0x4e: {  	_ =	shalt  }
0x4f: {  	_ =	shalt  }
0x50: {  	_ =	shalt  }
0x51: {  	_ =	shalt  }
0x52: {  	_ =	shalt  }
0x53: {  	_ =	shalt  }
0x54: {  	_ =	shalt  }
0x55: {  	_ =	shalt  }
0x56: {  	_ =	shalt  }
0x57: {  	_ =	shalt  }
0x58: {  	_ =	shalt  }
0x59: {  	_ =	shalt  }
0x5a: {  	_ =	shalt  }
0x5b: {  	_ =	shalt  }
0x5c: {  	_ =	shalt  }
0x5d: {  	_ =	shalt  }
0x5e: {  	_ =	shalt  }
0x5f: {  	_ =	shalt  }
0x60: {  	_ =	shalt  }
0x61: {  	_ =	shalt  }
0x62: {  	_ =	shalt  }
0x63: {  	_ =	shalt  }
0x64: {  	_ =	shalt  }
0x65: {  	_ =	shalt  }
0x66: {  	_ =	shalt  }
0x67: {  	_ =	shalt  }
0x68: {  	_ =	shalt  }
0x69: {  	_ =	shalt  }
0x6a: {  	_ =	shalt  }
0x6b: {  	_ =	shalt  }
0x6c: {  	_ =	shalt  }
0x6d: {  	_ =	shalt  }
0x6e: {  	_ =	shalt  }
0x6f: {  	_ =	shalt  }
0x70: {  	_ =	shalt  }
0x71: {  	_ =	shalt  }
0x72: {  	_ =	shalt  }
0x73: {  	_ =	shalt  }
0x74: {  	_ =	shalt  }
0x75: {  	_ =	shalt  }
0x76: {  	_ =	shalt  }
0x77: {  	_ =	shalt  }
0x78: {  	_ =	shalt  }
0x79: {  	_ =	shalt  }
0x7a: {  	_ =	shalt  }
0x7b: {  	_ =	shalt  }
0x7c: {  	_ =	shalt  }
0x7d: {  	_ =	shalt  }
0x7e: {  	_ =	shalt  }
0x7f: {  	_ =	shalt  }
0x80: {  	_ =	shalt  }
0x81: {  	_ =	shalt  }
0x82: {  	_ =	shalt  }
0x83: {  	_ =	shalt  }
0x84: {  	_ =	shalt  }
0x85: {  	_ =	shalt  }
0x86: {  	_ =	shalt  }
0x87: {  	_ =	shalt  }
.Lfunc_end0:
.L_simem_size_0:
called_computation_lowered:
.L_overlay_start_0:
0x88: {  	s2 =	sld [smem:$0x3FD9]  }
0x89: {  	s3 =	sld [smem:$0x3FFE];
	_ =	sdelay $0x1  }
0x8a: {  	s1 =	srdreg.scid  }
0x8b: {  	s0 =	sand.u32 $0x1, s1  }
0x8c: {  	s18 =	sshll.u32 s0, $0xA;
	s2 =	sadd.s32 s3, s2  }
0x8d: {  	s2 =	sadd.s32 s2, s18  }
0x8e: {  	[smem:$0x3FC6] =	sst s2  }
0x8f: {  	_ = 	snop  }
0x90: {  	s2 =	sld [smem:$0x3FC9]  }
0x91: {  	s19 =	sld [smem:$0x3FC8]  }
0x92: {  	s4 =	sld [smem:$0x3FD0];
	(tm) =	ssettm $0x1  }
0x93: {  	s5 =	sld [smem:$0x3FFB];
	_ =	sdelay $0x3  }
0x94: {  	_ =	strace s5  }
0x95: {  	s5 =	sld [smem:$0x3FFC];
	_ =	sdelay $0x3  }
0x96: {  	_ =	strace s5  }
0x97: {  	s5 =	sld [smem:$0x3FFD];
	_ =	sdelay $0x3  }
0x98: {  	_ =	strace s5  }
0x99: {  	_ =	strace $0x8FFFFFFF  }
0x9a: {  	s20 =	sld [smem:$0x3FDB];
	_ =	sdelay $0x1  }
0x9b: {  	s6 =	simm.s32 $_scs_section_size  }
0x9c: {  	s7 =	simm.s32 $_size__tile_overlayer_lowered;
	s8 =	simm.s32 $_tile_overlayer_lowered  }
0x9d: {  	s23 =	simm.s32 $0x1BFF;
	s22 =	sshll.u32 s8, $0x1;
	s5 =	sadd.s32 s6, s20  }
0x9e: {  	s9 =	simm.s32 $0x0;
	s21 =	sshll.u32 s7, $0x1;
	s7 =	sadd.s32 s22, s5  }
0x9f: {  	[timem:s9], [sflag:s23] =	dma.local [hbm:s7], s21  }
0xa0: {  	_ =	swait.ge [sflag:s23], s21  }
0xa1: {  	s6 =	ssub.s32 $0x0, s21;
	[sflag:s23] =	ssyncset.done $0x0  }
0xa2: {  	[sflag:s23] =	ssyncadd.s32 s6;
	_ =	sdelay $0x1  }
0xa3: {  	s24 =	simm.s32 $0x1B8B  }
0xa4: {  	_ =	swait.ge [sflag:s24], $0x1  }
0xa5: {  	[sflag:s24] =	ssyncset.done $0x0  }
0xa6: {  	s25 =	simm.s32 $0x1B8E;
	[sflag:s24] =	ssyncadd.s32 $0xFFFFFFFF  }
0xa7: {  	s26 =	simm.s32 $execute0_lowered;
	[smem:$0x3FD2] =	sst s25  }
0xa8: {  	s6 =	sshll.u32 s26, $0x1;
	_ =	strace $0x80000046;
	[dreg:$0x1] =	wrdreg $0xFFFFFFFF  }
0xa9: {  	s28 =	simm.s32 $_size_execute0_lowered;
	s5 =	sadd.s32 s5, s6;
	[dreg:$0x0] =	wrdreg $0x0  }
0xaa: {  	s6 =	sshll.u32 s28, $0x1;
	[dreg:$0x2] =	wrdreg s5  }
0xab: {  	[dreg:$0x3] =	wrdreg s6  }
0xac: {  	[dreg:$0x4] =	wrdreg $0xC0  }
0xad: {  	_ =	task [dreg:s9], $0x5FFFF  }
0xae: {  	[dreg:$0x1] =	wrdreg $0xFFFFFFFF  }
0xaf: {  	[dreg:$0x0] =	wrdreg $0x60  }
0xb0: {  	[dreg:$0x2] =	wrdreg s2  }
0xb1: {  	[dreg:$0x3] =	wrdreg s19  }
0xb2: {  	[dreg:$0x4] =	wrdreg s4  }
0xb3: {  	[dreg:$0x5] =	wrdreg $0x9  }
0xb4: {  	_ =	task.clear_ibuf [dreg:s9], $0x6FFFF;
	_ =	strace $0x90000046  }
0xb5: {  	s29 =	simm.s32 $0x9;
	_ =	strace $0x80000048  }
0xb6: {  	_ =	swait.ge [sflag:s29], $0x1  }
0xb7: {  	[sflag:s29] =	ssyncadd.s32 $0xFFFFFFFF  }
0xb8: {  	_ =	strace $0x90000048  }
0xb9: {  	_ =	sfence  }
0xba: {  	s30 =	sld [smem:$0x0];
	_ =	sdelay $0x2  }
0xbb: {  	s31 =	sshll.u32 s1, $0xD;
	s1 =	sshrl.u32 s1, $0x2  }
0xbc: {  	s3 =	sand.u32 $0x4000, s31;
	s1 =	sadd.s32 s1, s30  }
0xbd: {  	s0 =	sor.u32 s3, s0;
	s1 =	sshll.u32 s1, $0x11  }
0xbe: {  	s0 =	sor.u32 s1, s0  }
0xbf: {  	s0 =	sadd.s32 $0x8F2B, s0  }
0xc0: {  	[sflag:s0] =	ssyncadd.remote.s32 $0x1  }
0xc1: {  	_ =	sfence.sel $0xFFFF  }
0xc2: {  	[dreg:$0x0] =	wrdreg $0xFFFFFFFF;
	(pc) =	sbr.abs _section_cstart, $3  }
0xc3: {  	[dreg:$0x1] =	wrdreg $0xFFFFFFFF  }
0xc4: {  	_ =	task.clear_ibuf [dreg:s9], $0x2FFFF;
	_ =	strace $0x9FFFFFFF  }
0xc5: {  	(tm) =	ssettm $0x7FFFFFFF  }
tec
execute0_lowered:
.L_overlay_start_1:
0x0: {  	(tag) =	ssettag $0x1  }
0x1: {  	s0 =	rddreg [dreg:$0x0]  }
0x2: {  	s1 =	rddreg [dreg:$0x1]  }
0x3: {  	s4 =	rddreg [dreg:$0x2];
	s3 =	srdreg.scid  }
0x4: {  	s2 =	simm.s32 $0x0;
	s6 =	stileid.u32;
	s28 =	simm.s32 $0x400  }
0x5: {  	s29 =	simm.s32 $0x8000;
	s30 =	simm.s32 $0xC000;
	s3 =	sand.u32 $0x1, s3  }
0x6: {  	s31 =	simm.s32 $0xE400;
	s6 =	sshll.u32 s6, $0x8;
	s5 =	ssub.s32 $0x2, s3  }
0x7: {  	[smem:$0x7FF] =	sst s2;
	s3 =	sshll.u32 s3, $0x7;
	s7 =	sshrl.u32 s5, $0x1  }
0x8: {  	_ =	strace $0x80000047;
	s6 =	sor.u32 s3, s6;
	s5 =	ssub.s32 s5, s7  }
0x9: {  	s0 =	sadd.s32 s6, s0;
	s3 =	sadd.s32 s1, s6;
	s20 =	sadd.s32 s4, s6  }
0xa: {  	s1 =	simm.s32 $0x1AF0000;
	s4 =	simm.s32 $0x1;
	s6 =	simm.s32 $0x0  }
0xb: {  	s21 =	sadd.s32 $0x192000, s0;
	s22 =	sadd.s32 $0x193000, s0;
	s23 =	sadd.s32 $0x1A7000, s0  }
0xc: {  	s24 =	sadd.s32 $0x33B000, s0;
	s25 =	sadd.s32 $0x33C000, s0;
	s26 =	sadd.s32 $0x350000, s0  }
0xd: {  	s10 =	sadd.s32 $0x157000, s0;
	s11 =	sadd.s32 $0x121000, s0;
	[dreg:$0x4] =	wrdreg s21  }
0xe: {  	s12 =	sadd.s32 $0x131000, s0;
	s13 =	sadd.s32 $0x13F000, s0;
	[dreg:$0x5] =	wrdreg s22  }
0xf: {  	s14 =	sadd.s32 $0x14E000, s0;
	s15 =	sadd.s32 $0x305000, s0;
	[dreg:$0x6] =	wrdreg s23  }
0x10: {  	s16 =	sadd.s32 $0x2D2000, s0;
	s17 =	sadd.s32 $0x2E2000, s0;
	[dreg:$0x7] =	wrdreg s24  }
0x11: {  	s18 =	sadd.s32 $0x2F0000, s0;
	s19 =	sadd.s32 $0x2FE000, s0;
	[dreg:$0x8] =	wrdreg s25  }
0x12: {  	s0 =	simm.s32 $0x10800;
	[dreg:$0x9] =	wrdreg s26;
	s21 =	smax.u32 s5, $0x1  }
0x13: {  	s22 =	sadd.s32 $0x7000, s3;
	s23 =	sadd.s32 $0xE000, s3;
	s24 =	sadd.s32 $0x6000, s3  }
0x14: {  	s25 =	sadd.s32 $0xD000, s3;
	s26 =	sadd.s32 $0x14000, s3;
	s5 =	simm.s32 $0x2  }
.LBB2_1:
0x15: {  	[tilespmem:s30], [sflag:$0x1] =	stream.strided.gather [hbm4b:s3+s28], $0x1800, s29, s28, $0x38;
	[tilespmem:$0x12C00] =	vst v63  }
0x16: {  	_ = 	snop  }
0x17: {  	[tilespmem:s31], [sflag:$0x1] =	stream.strided.gather [hbm4b:s22+s28], $0x1800, s29, s28, $0x38;
	[tilespmem:$0x12C00] =	vst v63  }
0x18: {  	_ = 	snop  }
0x19: {  	[tilespmem:s0], [sflag:$0x1] =	stream.strided.gather [hbm4b:s23+s28], $0x1800, s29, s28, $0x38;
	[tilespmem:$0x12C00] =	vst v63  }
0x1a: {  	s7 =	simm.s32 $0xD800  }
0x1b: {  	[tilespmem:s7], [sflag:$0x1] =	stream.linear.gather [hbm4b:s24+s2], $0x200, $0x38;
	[tilespmem:$0x12C00] =	vst v63  }
0x1c: {  	s8 =	simm.s32 $0xFC00  }
0x1d: {  	[tilespmem:s8], [sflag:$0x1] =	stream.linear.gather [hbm4b:s25+s2], $0x200, $0x38;
	[tilespmem:$0x12C00] =	vst v63  }
0x1e: {  	s9 =	simm.s32 $0x12000  }
0x1f: {  	[tilespmem:s9], [sflag:$0x1] =	stream.linear.gather [hbm4b:s26+s2], $0x200, $0x38;
	[tilespmem:$0x12C00] =	vst v63  }
0x20: {  	s8 =	rddreg [dreg:$0x4]  }
0x21: {  	[tilespmem:s2], [sflag:$0x1] =	stream.strided.gather [hbm4b:s8+s28], $0xC00, s1, s28, $0x38;
	[tilespmem:$0x12C00] =	vst v63  }
0x22: {  	s9 =	rddreg [dreg:$0x5];
	s8 =	simm.s32 $0xC00  }
0x23: {  	[tilespmem:s8], [sflag:$0x1] =	stream.strided.gather [hbm4b:s9+s28], $0xC00, s1, s28, $0x38;
	[tilespmem:$0x12C00] =	vst v63  }
0x24: {  	s8 =	rddreg [dreg:$0x6];
	s9 =	simm.s32 $0x1800  }
0x25: {  	[tilespmem:s9], [sflag:$0x1] =	stream.strided.gather [hbm4b:s8+s28], $0xC00, s1, s28, $0x38;
	[tilespmem:$0x12C00] =	vst v63  }
0x26: {  	s8 =	rddreg [dreg:$0x7];
	s9 =	simm.s32 $0x2400  }
0x27: {  	[tilespmem:s9], [sflag:$0x1] =	stream.strided.gather [hbm4b:s8+s28], $0xC00, s1, s28, $0x38;
	[tilespmem:$0x12C00] =	vst v63  }
0x28: {  	s8 =	rddreg [dreg:$0x8];
	s9 =	simm.s32 $0x3000  }
0x29: {  	[tilespmem:s9], [sflag:$0x1] =	stream.strided.gather [hbm4b:s8+s28], $0xC00, s1, s28, $0x38;
	[tilespmem:$0x12C00] =	vst v63  }
0x2a: {  	s8 =	rddreg [dreg:$0x9];
	s9 =	simm.s32 $0x3C00  }
0x2b: {  	[tilespmem:s9], [sflag:$0x1] =	stream.strided.gather [hbm4b:s8+s28], $0xC00, s1, s28, $0x38;
	[tilespmem:$0x12C00] =	vst v63  }
0x2c: {  	s8 =	simm.s32 $0x4800  }
0x2d: {  	[tilespmem:s8], [sflag:$0x1] =	stream.strided.gather [hbm4b:s10+s28], $0xC00, s1, s28, $0x38;
	[tilespmem:$0x12C00] =	vst v63  }
0x2e: {  	s9 =	simm.s32 $0x5400  }
0x2f: {  	[tilespmem:s9], [sflag:$0x1] =	stream.strided.gather [hbm4b:s11+s28], $0xC00, s1, s28, $0x38;
	[tilespmem:$0x12C00] =	vst v63  }
0x30: {  	s8 =	simm.s32 $0x6000  }
0x31: {  	[tilespmem:s8], [sflag:$0x1] =	stream.strided.gather [hbm4b:s12+s28], $0xC00, s1, s28, $0x38;
	[tilespmem:$0x12C00] =	vst v63  }
0x32: {  	s9 =	simm.s32 $0x6C00  }
0x33: {  	[tilespmem:s9], [sflag:$0x1] =	stream.strided.gather [hbm4b:s13+s28], $0xC00, s1, s28, $0x38;
	[tilespmem:$0x12C00] =	vst v63  }
0x34: {  	s8 =	simm.s32 $0x7800  }
0x35: {  	[tilespmem:s8], [sflag:$0x1] =	stream.strided.gather [hbm4b:s14+s28], $0xC00, s1, s28, $0x38;
	[tilespmem:$0x12C00] =	vst v63  }
0x36: {  	s9 =	simm.s32 $0x8400  }
0x37: {  	[tilespmem:s9], [sflag:$0x1] =	stream.strided.gather [hbm4b:s15+s28], $0xC00, s1, s28, $0x38;
	[tilespmem:$0x12C00] =	vst v63  }
0x38: {  	s8 =	simm.s32 $0x9000  }
0x39: {  	[tilespmem:s8], [sflag:$0x1] =	stream.strided.gather [hbm4b:s16+s28], $0xC00, s1, s28, $0x38;
	[tilespmem:$0x12C00] =	vst v63  }
0x3a: {  	s9 =	simm.s32 $0x9C00  }
0x3b: {  	[tilespmem:s9], [sflag:$0x1] =	stream.strided.gather [hbm4b:s17+s28], $0xC00, s1, s28, $0x38;
	[tilespmem:$0x12C00] =	vst v63  }
0x3c: {  	s8 =	simm.s32 $0xA800  }
0x3d: {  	[tilespmem:s8], [sflag:$0x1] =	stream.strided.gather [hbm4b:s18+s28], $0xC00, s1, s28, $0x38;
	[tilespmem:$0x12C00] =	vst v63  }
0x3e: {  	s9 =	simm.s32 $0xB400  }
0x3f: {  	[tilespmem:s9], [sflag:$0x1] =	stream.strided.gather [hbm4b:s19+s28], $0xC00, s1, s28, $0x38;
	[tilespmem:$0x12C00] =	vst v63  }
0x40: {  	_ =	swait.ge [sflag:s4], $0x4E00  }
0x41: {  	[sflag:s4] =	ssyncset.done $0x0  }
0x42: {  	[sflag:s4] =	ssyncadd.s32 $0xFFFFB200  }
0x43: {  	_ =	swait.ge [sflag:s4], $0xC00  }
0x44: {  	[sflag:s4] =	ssyncset.done $0x0  }
0x45: {  	[sflag:s4] =	ssyncadd.s32 $0xFFFFF400  }
0x46: {  	_ =	swait.ge [sflag:s4], $0xC00  }
0x47: {  	[sflag:s4] =	ssyncset.done $0x0  }
0x48: {  	[sflag:s4] =	ssyncadd.s32 $0xFFFFF400  }
0x49: {  	_ =	swait.ge [sflag:s4], $0xC00  }
0x4a: {  	[sflag:s4] =	ssyncset.done $0x0  }
0x4b: {  	[sflag:s4] =	ssyncadd.s32 $0xFFFFF400  }
0x4c: {  	_ =	swait.ge [sflag:s4], $0xC00  }
0x4d: {  	[sflag:s4] =	ssyncset.done $0x0  }
0x4e: {  	[sflag:s4] =	ssyncadd.s32 $0xFFFFF400  }
0x4f: {  	_ =	swait.ge [sflag:s4], $0xC00  }
0x50: {  	[sflag:s4] =	ssyncset.done $0x0  }
0x51: {  	[sflag:s4] =	ssyncadd.s32 $0xFFFFF400  }
0x52: {  	_ =	swait.ge [sflag:s4], $0xC00  }
0x53: {  	[sflag:s4] =	ssyncset.done $0x0  }
0x54: {  	[sflag:s4] =	ssyncadd.s32 $0xFFFFF400  }
0x55: {  	_ =	swait.ge [sflag:s4], $0xC00  }
0x56: {  	[sflag:s4] =	ssyncset.done $0x0  }
0x57: {  	[sflag:s4] =	ssyncadd.s32 $0xFFFFF400  }
0x58: {  	_ =	swait.ge [sflag:s4], $0xC00  }
0x59: {  	[sflag:s4] =	ssyncset.done $0x0  }
0x5a: {  	[sflag:s4] =	ssyncadd.s32 $0xFFFFF400  }
0x5b: {  	_ =	swait.ge [sflag:s4], $0xC00  }
0x5c: {  	[sflag:s4] =	ssyncset.done $0x0  }
0x5d: {  	[sflag:s4] =	ssyncadd.s32 $0xFFFFF400  }
0x5e: {  	_ =	swait.ge [sflag:s4], $0xC00  }
0x5f: {  	[sflag:s4] =	ssyncset.done $0x0  }
0x60: {  	[sflag:s4] =	ssyncadd.s32 $0xFFFFF400  }
0x61: {  	_ =	swait.ge [sflag:s4], $0xC00  }
0x62: {  	[sflag:s4] =	ssyncset.done $0x0  }
0x63: {  	[sflag:s4] =	ssyncadd.s32 $0xFFFFF400  }
0x64: {  	_ =	swait.ge [sflag:s4], $0xC00  }
0x65: {  	[sflag:s4] =	ssyncset.done $0x0  }
0x66: {  	[sflag:s4] =	ssyncadd.s32 $0xFFFFF400  }
0x67: {  	_ =	swait.ge [sflag:s4], $0xC00  }
0x68: {  	[sflag:s4] =	ssyncset.done $0x0  }
0x69: {  	[sflag:s4] =	ssyncadd.s32 $0xFFFFF400  }
0x6a: {  	_ =	swait.ge [sflag:s4], $0xC00  }
0x6b: {  	[sflag:s4] =	ssyncset.done $0x0  }
0x6c: {  	[sflag:s4] =	ssyncadd.s32 $0xFFFFF400  }
0x6d: {  	_ =	swait.ge [sflag:s4], $0xC00  }
0x6e: {  	[sflag:s4] =	ssyncset.done $0x0  }
0x6f: {  	[sflag:s4] =	ssyncadd.s32 $0xFFFFF400  }
0x70: {  	_ =	swait.ge [sflag:s4], $0xC00  }
0x71: {  	[sflag:s4] =	ssyncset.done $0x0  }
0x72: {  	s7 =	simm.s32 $0x0;
	[sflag:s4] =	ssyncadd.s32 $0xFFFFF400  }
0x73: {  	v0 =	vld [tilespmem:s7+$0xBE80]  }
0x74: {  	v1 =	vld [tilespmem:s7+$0x0]  }
0x75: {  	v2 =	vld [tilespmem:s7+$0x400]  }
0x76: {  	v3 =	vld [tilespmem:s7+$0x800]  }
0x77: {  	v4 =	vld [tilespmem:s7+$0xD00]  }
0x78: {  	v5 =	vld [tilespmem:s7+$0x1100];
	[tilespmem:s7+$0x12980] =	vst v0  }
0x79: {  	v6 =	vld [tilespmem:s7+$0xA480];
	[tilespmem:s7+$0xDA00] =	vst v1  }
0x7a: {  	v0 =	vld [tilespmem:s7+$0x1500];
	[tilespmem:s7+$0xFE00] =	vst v2  }
0x7b: {  	v1 =	vld [tilespmem:s7+$0x1980];
	[tilespmem:s7+$0x12200] =	vst v3  }
0x7c: {  	v2 =	vld [tilespmem:s7+$0x1D80];
	[tilespmem:s7+$0xDA80] =	vst v4  }
0x7d: {  	v3 =	vld [tilespmem:s7+$0x2180];
	[tilespmem:s7+$0xFE80] =	vst v5  }
0x7e: {  	v4 =	vld [tilespmem:s7+$0x2480];
	[tilespmem:s7+$0x12880] =	vst v6  }
0x7f: {  	v5 =	vld [tilespmem:s7+$0xA080];
	[tilespmem:s7+$0x12280] =	vst v0  }
0x80: {  	v0 =	vld [tilespmem:s7+$0x2880];
	[tilespmem:s7+$0xDB00] =	vst v1  }
0x81: {  	v1 =	vld [tilespmem:s7+$0x2C80];
	[tilespmem:s7+$0xFF00] =	vst v2  }
0x82: {  	v2 =	vld [tilespmem:s7+$0x3000];
	[tilespmem:s7+$0x12300] =	vst v3  }
0x83: {  	v3 =	vld [tilespmem:s7+$0x3400];
	[tilespmem:s7+$0xDB80] =	vst v4  }
0x84: {  	v4 =	vld [tilespmem:s7+$0x3800];
	[tilespmem:s7+$0x10480] =	vst v5  }
0x85: {  	[tilespmem:s7+$0xFF80] =	vst v0;
	v0 =	vld [tilespmem:s7+$0x3D80]  }
0x86: {  	[tilespmem:s7+$0x12380] =	vst v1;
	v1 =	vld [tilespmem:s7+$0x4180]  }
0x87: {  	[tilespmem:s7+$0xDC00] =	vst v2;
	v2 =	vld [tilespmem:s7+$0x4580]  }
0x88: {  	[tilespmem:s7+$0x10000] =	vst v3;
	v3 =	vld [tilespmem:s7+$0x4900]  }
0x89: {  	[tilespmem:s7+$0x12400] =	vst v4;
	v4 =	vld [tilespmem:s7+$0x4D00]  }
0x8a: {  	[tilespmem:s7+$0xDC80] =	vst v0;
	v0 =	vld [tilespmem:s7+$0x5100]  }
0x8b: {  	[tilespmem:s7+$0x10080] =	vst v1;
	v1 =	vld [tilespmem:s7+$0x5780]  }
0x8c: {  	[tilespmem:s7+$0x12480] =	vst v2;
	v2 =	vld [tilespmem:s7+$0x5B80]  }
0x8d: {  	[tilespmem:s7+$0xDD00] =	vst v3;
	v3 =	vld [tilespmem:s7+$0x5F80]  }
0x8e: {  	[tilespmem:s7+$0x10100] =	vst v4;
	v4 =	vld [tilespmem:s7+$0x6280]  }
0x8f: {  	[tilespmem:s7+$0x12500] =	vst v0;
	v0 =	vld [tilespmem:s7+$0x6680]  }
0x90: {  	[tilespmem:s7+$0xDD80] =	vst v1;
	v1 =	vld [tilespmem:s7+$0x6A80]  }
0x91: {  	[tilespmem:s7+$0x10180] =	vst v2;
	v2 =	vld [tilespmem:s7+$0x6E00]  }
0x92: {  	[tilespmem:s7+$0x12580] =	vst v3;
	v3 =	vld [tilespmem:s7+$0x7200]  }
0x93: {  	[tilespmem:s7+$0xDE00] =	vst v4;
	v4 =	vld [tilespmem:s7+$0x7600]  }
0x94: {  	[tilespmem:s7+$0x10200] =	vst v0;
	v0 =	vld [tilespmem:s7+$0x7880]  }
0x95: {  	[tilespmem:s7+$0x12600] =	vst v1;
	v1 =	vld [tilespmem:s7+$0x7C80]  }
0x96: {  	[tilespmem:s7+$0xDE80] =	vst v2;
	v2 =	vld [tilespmem:s7+$0x8080]  }
0x97: {  	[tilespmem:s7+$0x10280] =	vst v3;
	v3 =	vld [tilespmem:s7+$0x8780]  }
0x98: {  	[tilespmem:s7+$0x12680] =	vst v4;
	v4 =	vld [tilespmem:s7+$0x8B80]  }
0x99: {  	[tilespmem:s7+$0xDF00] =	vst v0;
	v0 =	vld [tilespmem:s7+$0x8F80]  }
0x9a: {  	[tilespmem:s7+$0x10300] =	vst v1;
	v1 =	vld [tilespmem:s7+$0x9300]  }
0x9b: {  	[tilespmem:s7+$0x12700] =	vst v2;
	v2 =	vld [tilespmem:s7+$0x9700]  }
0x9c: {  	[tilespmem:s7+$0xDF80] =	vst v3;
	v3 =	vld [tilespmem:s7+$0x9B00]  }
0x9d: {  	[tilespmem:s7+$0x10380] =	vst v4;
	v4 =	vld [tilespmem:s7+$0x9C80]  }
0x9e: {  	[tilespmem:s7+$0x12780] =	vst v0;
	v0 =	vld [tilespmem:s7+$0xA800]  }
0x9f: {  	[tilespmem:s7+$0xE000] =	vst v1;
	v1 =	vld [tilespmem:s7+$0xAC00]  }
0xa0: {  	[tilespmem:s7+$0x10400] =	vst v2;
	v2 =	vld [tilespmem:s7+$0xB000]  }
0xa1: {  	[tilespmem:s7+$0x12800] =	vst v3;
	v3 =	vld [tilespmem:s7+$0xB680]  }
0xa2: {  	s8 =	simm.s32 $0x80;
	s9 =	simm.s32 $0x10;
	[tilespmem:s7+$0xE080] =	vst v4;
	v4 =	vld [tilespmem:s7+$0xBA80]  }
.LBB2_2:
0xa3: {  	p0 =	sne.s32 s8, $0x1C0;
	v5 =	vld [tilespmem:s9+$0xBE80];
	[tilespmem:s7+$0xE100] =	vst v0  }
0xa4: {  	v0 =	vld [tilespmem:s9+$0x0];
	[tilespmem:s7+$0x10500] =	vst v1  }
0xa5: {  	v1 =	vld [tilespmem:s9+$0x400];
	[tilespmem:s7+$0x12900] =	vst v2  }
0xa6: {  	v2 =	vld [tilespmem:s9+$0x800];
	[tilespmem:s7+$0xE180] =	vst v3  }
0xa7: {  	v3 =	vld [tilespmem:s9+$0xD00];
	[tilespmem:s7+$0x10580] =	vst v4;
	s7 =	smov.u32 s9  }
0xa8: {  	v4 =	vld [tilespmem:s7+$0x1100];
	[tilespmem:s7+$0x12980] =	vst v5  }
0xa9: {  	[tilespmem:s7+$0xDA00] =	vst v0;
	v0 =	vld [tilespmem:s7+$0x1500]  }
0xaa: {  	[tilespmem:s7+$0xFE00] =	vst v1;
	v1 =	vld [tilespmem:s7+$0x1980]  }
0xab: {  	[tilespmem:s7+$0x12200] =	vst v2;
	v2 =	vld [tilespmem:s7+$0x1D80]  }
0xac: {  	[tilespmem:s7+$0xDA80] =	vst v3;
	v3 =	vld [tilespmem:s7+$0x2180]  }
0xad: {  	[tilespmem:s7+$0xFE80] =	vst v4;
	v4 =	vld [tilespmem:s7+$0x2480]  }
0xae: {  	[tilespmem:s7+$0x12280] =	vst v0;
	v0 =	vld [tilespmem:s7+$0x2880]  }
0xaf: {  	[tilespmem:s7+$0xDB00] =	vst v1;
	v1 =	vld [tilespmem:s7+$0x2C80]  }
0xb0: {  	[tilespmem:s7+$0xFF00] =	vst v2;
	v2 =	vld [tilespmem:s7+$0x3000]  }
0xb1: {  	[tilespmem:s7+$0x12300] =	vst v3;
	v3 =	vld [tilespmem:s7+$0x3400]  }
0xb2: {  	[tilespmem:s7+$0xDB80] =	vst v4;
	v4 =	vld [tilespmem:s7+$0x3800]  }
0xb3: {  	[tilespmem:s7+$0xFF80] =	vst v0;
	v0 =	vld [tilespmem:s7+$0x3D80]  }
0xb4: {  	[tilespmem:s7+$0x12380] =	vst v1;
	v1 =	vld [tilespmem:s7+$0x4180]  }
0xb5: {  	[tilespmem:s7+$0xDC00] =	vst v2;
	v2 =	vld [tilespmem:s7+$0x4580]  }
0xb6: {  	[tilespmem:s7+$0x10000] =	vst v3;
	v3 =	vld [tilespmem:s7+$0x4900]  }
0xb7: {  	[tilespmem:s7+$0x12400] =	vst v4;
	v4 =	vld [tilespmem:s7+$0x4D00]  }
0xb8: {  	[tilespmem:s7+$0xDC80] =	vst v0;
	v0 =	vld [tilespmem:s7+$0x5100]  }
0xb9: {  	[tilespmem:s7+$0x10080] =	vst v1;
	v1 =	vld [tilespmem:s7+$0x5780]  }
0xba: {  	[tilespmem:s7+$0x12480] =	vst v2;
	v2 =	vld [tilespmem:s7+$0x5B80]  }
0xbb: {  	[tilespmem:s7+$0xDD00] =	vst v3;
	v3 =	vld [tilespmem:s7+$0x5F80]  }
0xbc: {  	[tilespmem:s7+$0x10100] =	vst v4;
	v4 =	vld [tilespmem:s7+$0x6280]  }
0xbd: {  	[tilespmem:s7+$0x12500] =	vst v0;
	v0 =	vld [tilespmem:s7+$0x6680]  }
0xbe: {  	[tilespmem:s7+$0xDD80] =	vst v1;
	v1 =	vld [tilespmem:s7+$0x6A80]  }
0xbf: {  	[tilespmem:s7+$0x10180] =	vst v2;
	v2 =	vld [tilespmem:s7+$0x6E00]  }
0xc0: {  	[tilespmem:s7+$0x12580] =	vst v3;
	v3 =	vld [tilespmem:s7+$0x7200]  }
0xc1: {  	[tilespmem:s7+$0xDE00] =	vst v4;
	v4 =	vld [tilespmem:s7+$0x7600]  }
0xc2: {  	[tilespmem:s7+$0x10200] =	vst v0;
	v0 =	vld [tilespmem:s7+$0x7880]  }
0xc3: {  	[tilespmem:s7+$0x12600] =	vst v1;
	v1 =	vld [tilespmem:s7+$0x7C80]  }
0xc4: {  	[tilespmem:s7+$0xDE80] =	vst v2;
	v2 =	vld [tilespmem:s7+$0x8080]  }
0xc5: {  	[tilespmem:s7+$0x10280] =	vst v3;
	v3 =	vld [tilespmem:s7+$0x8780]  }
0xc6: {  	[tilespmem:s7+$0x12680] =	vst v4;
	v4 =	vld [tilespmem:s7+$0x8B80]  }
0xc7: {  	[tilespmem:s7+$0xDF00] =	vst v0;
	v0 =	vld [tilespmem:s7+$0x8F80]  }
0xc8: {  	[tilespmem:s7+$0x10300] =	vst v1;
	v1 =	vld [tilespmem:s7+$0x9300]  }
0xc9: {  	[tilespmem:s7+$0x12700] =	vst v2;
	v2 =	vld [tilespmem:s7+$0x9700]  }
0xca: {  	[tilespmem:s7+$0xDF80] =	vst v3;
	v3 =	vld [tilespmem:s7+$0x9B00]  }
0xcb: {  	[tilespmem:s7+$0x10380] =	vst v4;
	v4 =	vld [tilespmem:s7+$0x9C80]  }
0xcc: {  	[tilespmem:s7+$0x12780] =	vst v0;
	v5 =	vld [tilespmem:s7+$0xA080]  }
0xcd: {  	[tilespmem:s7+$0xE000] =	vst v1;
	v6 =	vld [tilespmem:s7+$0xA480]  }
.Ltmp0:
0xce: {  	[tilespmem:s7+$0x10400] =	vst v2;
	v0 =	vld [tilespmem:s7+$0xA800];
	(pc) =	sbr.rel @p0 .LBB2_2-.Ltmp0, $4  }
0xcf: {  	[tilespmem:s7+$0x12800] =	vst v3;
	v1 =	vld [tilespmem:s7+$0xAC00]  }
0xd0: {  	[tilespmem:s7+$0xE080] =	vst v4;
	v2 =	vld [tilespmem:s7+$0xB000]  }
0xd1: {  	[tilespmem:s7+$0x10480] =	vst v5;
	v3 =	vld [tilespmem:s7+$0xB680]  }
0xd2: {  	s9 =	sshra.s32 s8, $0x2;
	s8 =	sadd.s32 $0x40, s8;
	[tilespmem:s7+$0x12880] =	vst v6;
	v4 =	vld [tilespmem:s7+$0xBA80]  }
0xd3: {  	v5 =	vld [tilespmem:s9+$0xBE80];
	[tilespmem:s7+$0xE100] =	vst v0  }
0xd4: {  	v0 =	vld [tilespmem:s9+$0x0];
	[tilespmem:s7+$0x10500] =	vst v1  }
0xd5: {  	v1 =	vld [tilespmem:s9+$0x400];
	[tilespmem:s7+$0x12900] =	vst v2  }
0xd6: {  	v2 =	vld [tilespmem:s9+$0x800];
	[tilespmem:s7+$0xE180] =	vst v3  }
0xd7: {  	v3 =	vld [tilespmem:s9+$0xD00];
	[tilespmem:s7+$0x10580] =	vst v4  }
0xd8: {  	v4 =	vld [tilespmem:s9+$0x1100];
	[tilespmem:s9+$0x12980] =	vst v5  }
0xd9: {  	v22 =	vld [tilespmem:s9+$0x1500];
	[tilespmem:s9+$0xDA00] =	vst v0  }
0xda: {  	v23 =	vld [tilespmem:s9+$0x1980];
	[tilespmem:s9+$0xFE00] =	vst v1  }
0xdb: {  	v24 =	vld [tilespmem:s9+$0x1D80];
	[tilespmem:s9+$0x12200] =	vst v2  }
0xdc: {  	v25 =	vld [tilespmem:s9+$0x2180];
	[tilespmem:s9+$0xDA80] =	vst v3  }
0xdd: {  	v26 =	vld [tilespmem:s9+$0x2480];
	[tilespmem:s9+$0xFE80] =	vst v4  }
0xde: {  	v27 =	vld [tilespmem:s9+$0x2880];
	[tilespmem:s9+$0x12280] =	vst v22  }
0xdf: {  	v28 =	vld [tilespmem:s9+$0x2C80];
	[tilespmem:s9+$0xDB00] =	vst v23  }
0xe0: {  	v29 =	vld [tilespmem:s9+$0x3000];
	[tilespmem:s9+$0xFF00] =	vst v24  }
0xe1: {  	v30 =	vld [tilespmem:s9+$0x3400];
	[tilespmem:s9+$0x12300] =	vst v25  }
0xe2: {  	v31 =	vld [tilespmem:s9+$0x3800];
	[tilespmem:s9+$0xDB80] =	vst v26  }
0xe3: {  	v32 =	vld [tilespmem:s9+$0x3D80];
	[tilespmem:s9+$0xFF80] =	vst v27  }
0xe4: {  	v33 =	vld [tilespmem:s9+$0x4180];
	[tilespmem:s9+$0x12380] =	vst v28  }
0xe5: {  	v34 =	vld [tilespmem:s9+$0x4580];
	[tilespmem:s9+$0xDC00] =	vst v29  }
0xe6: {  	v35 =	vld [tilespmem:s9+$0x4900];
	[tilespmem:s9+$0x10000] =	vst v30  }
0xe7: {  	v36 =	vld [tilespmem:s9+$0x4D00];
	[tilespmem:s9+$0x12400] =	vst v31  }
0xe8: {  	v37 =	vld [tilespmem:s9+$0x5100];
	[tilespmem:s9+$0xDC80] =	vst v32  }
0xe9: {  	v38 =	vld [tilespmem:s9+$0x5780];
	[tilespmem:s9+$0x10080] =	vst v33  }
0xea: {  	v39 =	vld [tilespmem:s9+$0x5B80];
	[tilespmem:s9+$0x12480] =	vst v34  }
0xeb: {  	v40 =	vld [tilespmem:s9+$0x5F80];
	[tilespmem:s9+$0xDD00] =	vst v35  }
0xec: {  	v41 =	vld [tilespmem:s9+$0x6280];
	[tilespmem:s9+$0x10100] =	vst v36  }
0xed: {  	v42 =	vld [tilespmem:s9+$0x6680];
	[tilespmem:s9+$0x12500] =	vst v37  }
0xee: {  	v43 =	vld [tilespmem:s9+$0x6A80];
	[tilespmem:s9+$0xDD80] =	vst v38  }
0xef: {  	v44 =	vld [tilespmem:s9+$0x6E00];
	[tilespmem:s9+$0x10180] =	vst v39  }
0xf0: {  	v45 =	vld [tilespmem:s9+$0x7200];
	[tilespmem:s9+$0x12580] =	vst v40  }
0xf1: {  	v46 =	vld [tilespmem:s9+$0x7600];
	[tilespmem:s9+$0xDE00] =	vst v41  }
0xf2: {  	v47 =	vld [tilespmem:s9+$0x7880];
	[tilespmem:s9+$0x10200] =	vst v42  }
0xf3: {  	v48 =	vld [tilespmem:s9+$0x7C80];
	[tilespmem:s9+$0x12600] =	vst v43  }
0xf4: {  	v49 =	vld [tilespmem:s9+$0x8080];
	[tilespmem:s9+$0xDE80] =	vst v44  }
0xf5: {  	v50 =	vld [tilespmem:s9+$0x8780];
	[tilespmem:s9+$0x10280] =	vst v45  }
0xf6: {  	v51 =	vld [tilespmem:s9+$0x8B80];
	[tilespmem:s9+$0x12680] =	vst v46  }
0xf7: {  	v52 =	vld [tilespmem:s9+$0x8F80];
	[tilespmem:s9+$0xDF00] =	vst v47  }
0xf8: {  	v53 =	vld [tilespmem:s9+$0x9300];
	[tilespmem:s9+$0x10300] =	vst v48  }
0xf9: {  	v54 =	vld [tilespmem:s9+$0x9700];
	[tilespmem:s9+$0x12700] =	vst v49  }
0xfa: {  	v55 =	vld [tilespmem:s9+$0x9B00];
	[tilespmem:s9+$0xDF80] =	vst v50  }
0xfb: {  	v56 =	vld [tilespmem:s9+$0x9C80];
	[tilespmem:s9+$0x10380] =	vst v51  }
0xfc: {  	v57 =	vld [tilespmem:s9+$0xA080];
	[tilespmem:s9+$0x12780] =	vst v52  }
0xfd: {  	v58 =	vld [tilespmem:s9+$0xA480];
	[tilespmem:s9+$0xE000] =	vst v53  }
0xfe: {  	v59 =	vld [tilespmem:s9+$0xA800];
	[tilespmem:s9+$0x10400] =	vst v54  }
0xff: {  	v60 =	vld [tilespmem:s9+$0xAC00];
	[tilespmem:s9+$0x12800] =	vst v55  }
0x100: {  	v61 =	vld [tilespmem:s9+$0xB000];
	[tilespmem:s9+$0xE080] =	vst v56  }
0x101: {  	v62 =	vld [tilespmem:s9+$0xB680];
	[tilespmem:s9+$0x10480] =	vst v57  }
0x102: {  	v63 =	vld [tilespmem:s9+$0xBA80];
	[tilespmem:s9+$0x12880] =	vst v58  }
0x103: {  	[tilespmem:s9+$0xE100] =	vst v59  }
0x104: {  	[tilespmem:s9+$0x10500] =	vst v60  }
0x105: {  	[tilespmem:s9+$0x12900] =	vst v61  }
0x106: {  	[tilespmem:s9+$0xE180] =	vst v62  }
0x107: {  	[tilespmem:s9+$0x10580] =	vst v63  }
0x108: {  	[hbm4b:s20+s28] =	stream.strided.scatter [tilespmem:s30], [sflag:$0x2], $0x2000, s29, s28, $0x38;
	[tilespmem:$0x12C00] =	vst v63  }
0x109: {  	s9 =	sadd.s32 $0x9000, s20  }
0x10a: {  	[hbm4b:s9+s28] =	stream.strided.scatter [tilespmem:s31], [sflag:$0x2], $0x2000, s29, s28, $0x38;
	[tilespmem:$0x12C00] =	vst v63  }
0x10b: {  	s8 =	sadd.s32 $0x12000, s20  }
0x10c: {  	[hbm4b:s8+s28] =	stream.strided.scatter [tilespmem:s0], [sflag:$0x2], $0x2000, s29, s28, $0x38;
	[tilespmem:$0x12C00] =	vst v63  }
0x10d: {  	s6 =	sadd.s32 $0x1, s6;
	s9 =	sadd.s32 $0x8000, s20;
	s8 =	simm.s32 $0xE000  }
0x10e: {  	[hbm4b:s9+s2] =	stream.linear.scatter [tilespmem:s8], [sflag:$0x2], $0x200, $0x38;
	[tilespmem:$0x12C00] =	vst v63  }
0x10f: {  	p0 =	sne.s32 s6, s21;
	s7 =	sadd.s32 $0x9000, s9;
	s9 =	simm.s32 $0x10400  }
0x110: {  	[hbm4b:s7+s2] =	stream.linear.scatter [tilespmem:s9], [sflag:$0x2], $0x200, $0x38;
	[tilespmem:$0x12C00] =	vst v63  }
.Ltmp1:
0x111: {  	s8 =	sadd.s32 $0x1A000, s20;
	s9 =	simm.s32 $0x12800;
	(pc) =	sbr.rel @p0 .LBB2_1-.Ltmp1, $4  }
0x112: {  	[hbm4b:s8+s2] =	stream.linear.scatter [tilespmem:s9], [sflag:$0x2], $0x200, $0x38;
	[tilespmem:$0x12C00] =	vst v63  }
0x113: {  	_ =	swait.ge [sflag:s5], $0x6600  }
0x114: {  	[sflag:s5] =	ssyncset.done $0x0  }
0x115: {  	[sflag:s5] =	ssyncadd.s32 $0xFFFF9A00  }
0x116: {  	_ =	sfence.sel $0x180000  }
0x117: {  	[bflag:$0x0] =	sbarrier.arrive $0xFFFF  }
0x118: {  	_ =	strace $0x90000047  }
0x119: {  	s0 =	stileid.u32;
	[bflag:$0x2] =	sbarrier.arrive $0xFFFF  }
0x11a: {  	p0 =	sne.s32 s0, $0x0;
	s0 =	rddreg [dreg:$0x3]  }
0x11b: {  	s0 =	sadd.s32 @!p0 $0x100000, s0  }
0x11c: {  	[sflag:s0] =	ssyncadd.tile.s32 @!p0 $0x1;
	_ =	shalt  }
.Lfunc_end2:
_tile_overlayer_lowered:
.L_overlay_start_2:
0x11d: {  	(tag) =	ssettag $0x2  }
0x11e: {  	s0 =	rddreg [dreg:$0x0];
	s2 =	stileid.u32  }
0x11f: {  	s1 =	rddreg [dreg:$0x1];
	p0 =	sne.s32 s2, $0x0  }
0x120: {  	s3 =	rddreg [dreg:$0x2];
	[bflag:$0x3] =	sbarrier.arrive $0xFFFF;
	s2 =	simm.s32 @!p0 $0x1C02  }
0x121: {  	[timem:s3], [sflag:s2] =	dma.local @!p0 [hbm:s0], s1  }
0x122: {  	s0 =	simm.s32 @!p0 $0x2  }
0x123: {  	_ =	swait.ge @!p0 [sflag:s0], s1  }
0x124: {  	s1 =	ssub.s32 @!p0 $0x0, s1;
	[sflag:s0] =	ssyncset.done @!p0 $0x0  }
0x125: {  	[sflag:s0] =	ssyncadd.s32 @!p0 s1  }
0x126: {  	[bflag:$0x3] =	sbarrier.arrive $0xFFFF  }
0x127: {  	_ =	shalt  }

</sc_bundles>
